<compile_context>
chip_gen: v7x
topology: tpu7x:2x2x1
jax: 0.10.2.dev20260603
libtpu: 0.0.44.dev20260713+nightly
codegen_flags: <defaults>
</compile_context>

<pallas_src>
import functools

import jax
import jax.numpy as jnp
from jax import lax
from jax.experimental import pallas as pl
from jax.experimental.pallas import tpu as pltpu
from jax.experimental.pallas import tpu_sc as plsc

NC = 2
NS = 16
LANES = 16
CHUNK = 128
HALF = 64
NBUF = 2


def _sc_degree(dst2d, n_acc, e_pad):
    chunks = e_pad // (NC * NS * CHUNK)
    rpt = n_acc // NS
    mesh = plsc.VectorSubcoreMesh(core_axis_name="c", subcore_axis_name="s")

    zeros16 = jnp.zeros((n_acc, LANES), jnp.float32)
    ones16 = jnp.ones((CHUNK, LANES), jnp.float32)

    @functools.partial(
        pl.kernel,
        out_type=jax.ShapeDtypeStruct((NC * n_acc, LANES), jnp.float32),
        mesh=mesh,
        scratch_types=[
            pltpu.VMEM((chunks, CHUNK), jnp.int32),
            pltpu.VMEM((CHUNK, LANES), jnp.float32),
            pltpu.VMEM_SHARED((n_acc, LANES), jnp.float32),
        ],
        compiler_params=pltpu.CompilerParams(use_tc_tiling_on_sc=False),
    )
    def deg_kernel(dst_hbm, z_hbm, ones_hbm, out_hbm, didx_v, ones_v, acc_sh):
        cid = lax.axis_index("c")
        sid = lax.axis_index("s")
        crow = (cid * NS + sid) * chunks
        pltpu.sync_copy(ones_hbm, ones_v)
        pltpu.sync_copy(dst_hbm.at[pl.ds(crow, chunks)], didx_v)
        pltpu.sync_copy(z_hbm.at[pl.ds(sid * rpt, rpt)],
                        acc_sh.at[pl.ds(sid * rpt, rpt)])
        plsc.subcore_barrier()

        def body(i, carry):
            pltpu.sync_copy(ones_v, acc_sh.at[didx_v.at[i]], add=True)
            return carry

        lax.fori_loop(0, chunks, body, 0)
        plsc.subcore_barrier()
        pltpu.sync_copy(acc_sh.at[pl.ds(sid * rpt, rpt)],
                        out_hbm.at[pl.ds(cid * n_acc + sid * rpt, rpt)])

    return deg_kernel(dst2d, zeros16, ones16)


def _sc_message(gA, gB, src2d, dst2d, n_acc, e_pad):
    chunks = e_pad // (NC * NS * CHUNK)
    rpt = n_acc // NS
    groups = chunks // NBUF
    mesh = plsc.VectorSubcoreMesh(core_axis_name="c", subcore_axis_name="s")

    zeros = jnp.zeros((n_acc, HALF), jnp.float32)
    out_sds = jax.ShapeDtypeStruct((NC * n_acc, HALF), jnp.float32)

    @functools.partial(
        pl.kernel,
        out_type=(out_sds, out_sds),
        mesh=mesh,
        scratch_types=[
            pltpu.VMEM((chunks, CHUNK), jnp.int32),
            pltpu.VMEM((chunks, CHUNK), jnp.int32),
        ]
        + [pltpu.VMEM((CHUNK, HALF), jnp.float32) for _ in range(NBUF)]
        + [pltpu.VMEM_SHARED((n_acc, HALF), jnp.float32)] * 2
        + [pltpu.SemaphoreType.DMA for _ in range(NBUF)],
        compiler_params=pltpu.CompilerParams(use_tc_tiling_on_sc=False),
    )
    def msg_kernel(gA_hbm, gB_hbm, src_hbm, dst_hbm, z_hbm, outA, outB,
                   sidx_v, didx_v, *rest):
        rows = rest[:NBUF]
        g_sh, acc_sh = rest[NBUF], rest[NBUF + 1]
        sems = rest[NBUF + 2:]
        cid = lax.axis_index("c")
        sid = lax.axis_index("s")
        crow = (cid * NS + sid) * chunks
        pltpu.sync_copy(src_hbm.at[pl.ds(crow, chunks)], sidx_v)
        pltpu.sync_copy(dst_hbm.at[pl.ds(crow, chunks)], didx_v)

        for g_hbm, out_hbm in ((gA_hbm, outA), (gB_hbm, outB)):
            pltpu.sync_copy(g_hbm.at[pl.ds(sid * rpt, rpt)],
                            g_sh.at[pl.ds(sid * rpt, rpt)])
            pltpu.sync_copy(z_hbm.at[pl.ds(sid * rpt, rpt)],
                            acc_sh.at[pl.ds(sid * rpt, rpt)])
            plsc.subcore_barrier()

            for b in range(NBUF):
                pltpu.async_copy(g_sh.at[sidx_v.at[b]], rows[b], sems[b])

            def body(gidx, carry):
                for b in range(NBUF):
                    i = gidx * NBUF + b
                    pltpu.make_async_copy(g_sh.at[pl.ds(0, CHUNK)],
                                          rows[b], sems[b]).wait()
                    pltpu.sync_copy(rows[b], acc_sh.at[didx_v.at[i]], add=True)
                    nxt = jnp.minimum(i + NBUF, chunks - 1)
                    pltpu.async_copy(g_sh.at[sidx_v.at[nxt]], rows[b], sems[b])
                return carry

            lax.fori_loop(0, groups, body, 0)
            for b in range(NBUF):
                pltpu.make_async_copy(g_sh.at[pl.ds(0, CHUNK)],
                                      rows[b], sems[b]).wait()
            plsc.subcore_barrier()
            pltpu.sync_copy(acc_sh.at[pl.ds(sid * rpt, rpt)],
                            out_hbm.at[pl.ds(cid * n_acc + sid * rpt, rpt)])

    return msg_kernel(gA, gB, src2d, dst2d, zeros)


def _dinv_from_parts(degp_ref):
    deg = degp_ref[0] + degp_ref[1]
    return lax.rsqrt(deg[:, 0:1] + 1.0)


def _tc_matmul(x, w):
    blk = 2000

    def body(x_ref, w_ref, o_ref):
        o_ref[...] = jnp.dot(x_ref[...], w_ref[...],
                             preferred_element_type=jnp.float32)

    n, d = x.shape
    return pl.pallas_call(
        body,
        grid=(n // blk,),
        in_specs=[pl.BlockSpec((blk, d), lambda i: (i, 0)),
                  pl.BlockSpec((d, w.shape[1]), lambda i: (0, 0))],
        out_specs=pl.BlockSpec((blk, w.shape[1]), lambda i: (i, 0)),
        out_shape=jax.ShapeDtypeStruct((n, w.shape[1]), jnp.float32),
    )(x, w)


def _tc_scale(m, degp, n_acc):
    blk = n_acc // NS

    def body(m_ref, degp_ref, gA_ref, gB_ref):
        g = m_ref[...] * _dinv_from_parts(degp_ref)
        gA_ref[...] = g[:, :HALF]
        gB_ref[...] = g[:, HALF:]

    d = m.shape[1]
    sds = jax.ShapeDtypeStruct((n_acc, HALF), jnp.float32)
    return pl.pallas_call(
        body,
        grid=(NS,),
        in_specs=[pl.BlockSpec((blk, d), lambda i: (i, 0)),
                  pl.BlockSpec((NC, blk, LANES), lambda i: (0, i, 0))],
        out_specs=(pl.BlockSpec((blk, HALF), lambda i: (i, 0)),
                   pl.BlockSpec((blk, HALF), lambda i: (i, 0))),
        out_shape=(sds, sds),
    )(m, degp)


def _tc_in(x, w, degp, n, n_acc):
    return _tc_scale(_tc_matmul(x, w), degp, n_acc)


def _tc_mid(pA, pB, gA, gB, degp, b, w, n_acc):
    blk = n_acc // NS

    def body(pA_ref, pB_ref, gA_ref, gB_ref, degp_ref, b_ref, w_ref,
             oA_ref, oB_ref):
        dinv = _dinv_from_parts(degp_ref)
        sA = pA_ref[0] + pA_ref[1] + gA_ref[...]
        sB = pB_ref[0] + pB_ref[1] + gB_ref[...]
        s = jnp.concatenate([sA, sB], axis=1)
        h = jnp.maximum(dinv * s + b_ref[...], 0.0)
        g = dinv * jnp.dot(h, w_ref[...], preferred_element_type=jnp.float32)
        oA_ref[...] = g[:, :HALF]
        oB_ref[...] = g[:, HALF:]

    d = w.shape[1]
    sds = jax.ShapeDtypeStruct((n_acc, HALF), jnp.float32)
    half_spec = pl.BlockSpec((blk, HALF), lambda i: (i, 0))
    part_spec = pl.BlockSpec((NC, blk, HALF), lambda i: (0, i, 0))
    return pl.pallas_call(
        body,
        grid=(NS,),
        in_specs=[part_spec, part_spec, half_spec, half_spec,
                  pl.BlockSpec((NC, blk, LANES), lambda i: (0, i, 0)),
                  pl.BlockSpec((1, d), lambda i: (0, 0)),
                  pl.BlockSpec((d, d), lambda i: (0, 0))],
        out_specs=(half_spec, half_spec),
        out_shape=(sds, sds),
    )(pA, pB, gA, gB, degp, b, w)


def _tc_out(pA, pB, gA, gB, degp, b, w, bfc, n, n_acc):
    blk = n_acc // NS

    def body(pA_ref, pB_ref, gA_ref, gB_ref, degp_ref, b_ref, w_ref,
             bfc_ref, o_ref):
        dinv = _dinv_from_parts(degp_ref)
        sA = pA_ref[0] + pA_ref[1] + gA_ref[...]
        sB = pB_ref[0] + pB_ref[1] + gB_ref[...]
        s = jnp.concatenate([sA, sB], axis=1)
        h = jnp.maximum(dinv * s + b_ref[...], 0.0)
        o_ref[...] = jnp.dot(h, w_ref[...],
                             preferred_element_type=jnp.float32) + bfc_ref[...]

    d = w.shape[1]
    half_spec = pl.BlockSpec((blk, HALF), lambda i: (i, 0))
    part_spec = pl.BlockSpec((NC, blk, HALF), lambda i: (0, i, 0))
    return pl.pallas_call(
        body,
        grid=(NS,),
        in_specs=[part_spec, part_spec, half_spec, half_spec,
                  pl.BlockSpec((NC, blk, LANES), lambda i: (0, i, 0)),
                  pl.BlockSpec((1, d), lambda i: (0, 0)),
                  pl.BlockSpec((d, d), lambda i: (0, 0)),
                  pl.BlockSpec((1, d), lambda i: (0, 0))],
        out_specs=pl.BlockSpec((blk, d), lambda i: (i, 0)),
        out_shape=jax.ShapeDtypeStruct((n, d), jnp.float32),
    )(pA, pB, gA, gB, degp, b, w, bfc)


def kernel(x, edge_index, W1, b1, W2, b2, Wfc, bfc):
    n, d_in = x.shape
    e = edge_index.shape[1]

    n_acc = -(-(n + 1) // (NS * 8)) * (NS * 8)
    grain = NC * NS * CHUNK * NBUF
    e_pad = -(-e // grain) * grain

    src = edge_index[0].astype(jnp.int32)
    dst = edge_index[1].astype(jnp.int32)
    src2d = jnp.concatenate(
        [src, jnp.zeros((e_pad - e,), jnp.int32)]).reshape(-1, CHUNK)
    dst2d = jnp.concatenate(
        [dst, jnp.full((e_pad - e,), n, jnp.int32)]).reshape(-1, CHUNK)

    degp = _sc_degree(dst2d, n_acc, e_pad).reshape(NC, n_acc, LANES)

    g1A, g1B = _tc_in(x, W1, degp, n, n_acc)
    p1A, p1B = _sc_message(g1A, g1B, src2d, dst2d, n_acc, e_pad)
    g2A, g2B = _tc_mid(p1A.reshape(NC, n_acc, HALF), p1B.reshape(NC, n_acc, HALF),
                       g1A, g1B, degp, b1.reshape(1, -1), W2, n_acc)
    p2A, p2B = _sc_message(g2A, g2B, src2d, dst2d, n_acc, e_pad)
    out = _tc_out(p2A.reshape(NC, n_acc, HALF), p2B.reshape(NC, n_acc, HALF),
                  g2A, g2B, degp, b2.reshape(1, -1), Wfc, bfc.reshape(1, -1),
                  n, n_acc)
    return out

# --- scband reference (transcript-rebuilt; emitter-appended) ---
"""Pipeline reference for scband-stgnn-17145509446140 (READ-ONLY COPY).

The authoritative reference and input builder live on the scoring server;
editing this copy changes nothing except your own understanding.
"""

import jax, jax.numpy as jnp
import numpy as np

N_NODES = 10000
N_EDGES = 320000
D_IN = 128
D_HID = 128
D_OUT = 128


def setup_inputs(seed: int = 0) -> dict:
    key = jax.random.key(seed)
    ks = jax.random.split(key, 10)
    x = jax.random.normal(ks[0], (N_NODES, D_IN), dtype=jnp.float32)
    edge_index = jax.random.randint(ks[1], (2, N_EDGES), 0, N_NODES, dtype=jnp.int64 if jax.config.jax_enable_x64 else jnp.int32)
    s1 = 1.0 / np.sqrt(D_IN)
    s2 = 1.0 / np.sqrt(D_HID)
    W1 = jax.random.uniform(ks[2], (D_IN, D_HID), jnp.float32, -s1, s1)
    b1 = jnp.zeros((D_HID,), jnp.float32)
    W2 = jax.random.uniform(ks[3], (D_HID, D_HID), jnp.float32, -s2, s2)
    b2 = jnp.zeros((D_HID,), jnp.float32)
    Wfc = jax.random.uniform(ks[4], (D_HID, D_OUT), jnp.float32, -s2, s2)
    bfc = jax.random.uniform(ks[5], (D_OUT,), jnp.float32, -s2, s2)
    return {"x": x, "edge_index": edge_index, "W1": W1, "b1": b1, "W2": W2, "b2": b2, "Wfc": Wfc, "bfc": bfc}


def gcn_conv(x, src, dst, W, b, num_nodes):
    # PyG GCNConv: add self-loops, sym-normalize, linear, scatter-add, bias
    loop = jnp.arange(num_nodes, dtype=src.dtype)
    s = jnp.concatenate([src, loop])
    d = jnp.concatenate([dst, loop])
    deg = jnp.zeros((num_nodes,), jnp.float32).at[d].add(1.0)
    deg_inv_sqrt = jnp.where(deg > 0, 1.0 / jnp.sqrt(deg), 0.0)
    norm = deg_inv_sqrt[s] * deg_inv_sqrt[d]
    h = x @ W
    msg = h[s] * norm[:, None]
    out = jnp.zeros((num_nodes, h.shape[1]), h.dtype).at[d].add(msg)
    return out + b


def reference(x, edge_index, W1, b1, W2, b2, Wfc, bfc):
    src, dst = edge_index[0], edge_index[1]
    n = x.shape[0]
    h = gcn_conv(x, src, dst, W1, b1, n)
    h = jax.nn.relu(h)
    # dropout p=0.0 -> identity
    h = gcn_conv(h, src, dst, W2, b2, n)
    h = jax.nn.relu(h)
    out = h @ Wfc + bfc
    return out

if __name__ == "__main__":
    import jax
    _d = setup_inputs()
    print(jax.jit(kernel)(*tuple(_d.values())))

</pallas_src>

<mosaic_0001>
#map = affine_map<(d0, d1) -> (0, 0)>
module attributes {stable_mosaic.version = 14 : i64} {
  func.func @msg_kernel(%arg0: i32, %arg1: i32, %arg2: memref<10112x64xf32, #tpu.memory_space<hbm>>, %arg3: memref<10112x64xf32, #tpu.memory_space<hbm>>, %arg4: memref<2560x128xi32, #tpu.memory_space<hbm>>, %arg5: memref<2560x128xi32, #tpu.memory_space<hbm>>, %arg6: memref<10112x64xf32, #tpu.memory_space<hbm>>, %arg7: memref<20224x64xf32, #tpu.memory_space<hbm>>, %arg8: memref<20224x64xf32, #tpu.memory_space<hbm>>, %arg9: memref<80x128xi32, #tpu.memory_space<vmem>>, %arg10: memref<80x128xi32, #tpu.memory_space<vmem>>, %arg11: memref<128x64xf32, #tpu.memory_space<vmem>>, %arg12: memref<128x64xf32, #tpu.memory_space<vmem>>, %arg13: memref<10112x64xf32, #tpu.memory_space<vmem_shared>>, %arg14: memref<10112x64xf32, #tpu.memory_space<vmem_shared>>, %arg15: memref<!tpu.dma_semaphore, #tpu.memory_space<semaphore_mem>>, %arg16: memref<!tpu.dma_semaphore, #tpu.memory_space<semaphore_mem>>) attributes {dimension_semantics = [#tpu.dimension_semantics<core_parallel>, #tpu.dimension_semantics<subcore_parallel>], iteration_bounds = array<i64: 2, 16>, scalar_prefetch = 0 : i64, scratch_operands = 8 : i64, tpu.core_type = #tpu.core_type<sc_vector_subcore>, window_params = [{transform_indices = #map}, {transform_indices = #map}, {transform_indices = #map}, {transform_indices = #map}, {transform_indices = #map}, {transform_indices = #map}, {transform_indices = #map}]} {
    %mul3A = arith.constant 16 : i32
    %mul3A_0 = arith.muli %arg0, %mul3A : i32
    %add3A = arith.addi %mul3A_0, %arg1 : i32
    %mul3A_1 = arith.constant 80 : i32
    %mul3A_2 = arith.muli %add3A, %mul3A_1 : i32
    "tpu.region"() ({
      %run_scoped3A = tpu.sem_alloc : memref<!tpu.dma_semaphore, #tpu.memory_space<semaphore_mem>>
      %dma_start3A_97 = arith.constant 0 : i32
      %dma_start3A_98 = tpu.memref_slice %arg4[%mul3A_2, %dma_start3A_97] : memref<2560x128xi32, #tpu.memory_space<hbm>> -> memref<80x128xi32, #tpu.memory_space<hbm>>
      %dma_start3A_99 = arith.constant 0 : i32
      %dma_start3A_100 = tpu.memref_slice %arg4[%mul3A_2, %dma_start3A_99] : memref<2560x128xi32, #tpu.memory_space<hbm>> -> memref<80x128xi32, #tpu.memory_space<hbm>>
      tpu.enqueue_dma source(%dma_start3A_100 : memref<80x128xi32, #tpu.memory_space<hbm>>) target(%arg9 : memref<80x128xi32, #tpu.memory_space<vmem>>) target_semaphore(%run_scoped3A : memref<!tpu.dma_semaphore, #tpu.memory_space<semaphore_mem>>)
      %dma_wait3A_101 = arith.constant 0 : i32
      %dma_wait3A_102 = tpu.memref_slice %arg4[%mul3A_2, %dma_wait3A_101] : memref<2560x128xi32, #tpu.memory_space<hbm>> -> memref<80x128xi32, #tpu.memory_space<hbm>>
      %dma_wait3A_103 = arith.constant 0 : i32
      %dma_wait3A_104 = tpu.memref_slice %arg4[%mul3A_2, %dma_wait3A_103] : memref<2560x128xi32, #tpu.memory_space<hbm>> -> memref<80x128xi32, #tpu.memory_space<hbm>>
      tpu.wait_dma2 semaphore(%run_scoped3A : memref<!tpu.dma_semaphore, #tpu.memory_space<semaphore_mem>>) src(%dma_wait3A_104 : memref<80x128xi32, #tpu.memory_space<hbm>>) dst(%arg9 : memref<80x128xi32, #tpu.memory_space<vmem>>)
      tpu.yield
    }) : () -> ()
    "tpu.region"() ({
      %run_scoped3A = tpu.sem_alloc : memref<!tpu.dma_semaphore, #tpu.memory_space<semaphore_mem>>
      %dma_start3A_97 = arith.constant 0 : i32
      %dma_start3A_98 = tpu.memref_slice %arg5[%mul3A_2, %dma_start3A_97] : memref<2560x128xi32, #tpu.memory_space<hbm>> -> memref<80x128xi32, #tpu.memory_space<hbm>>
      %dma_start3A_99 = arith.constant 0 : i32
      %dma_start3A_100 = tpu.memref_slice %arg5[%mul3A_2, %dma_start3A_99] : memref<2560x128xi32, #tpu.memory_space<hbm>> -> memref<80x128xi32, #tpu.memory_space<hbm>>
      tpu.enqueue_dma source(%dma_start3A_100 : memref<80x128xi32, #tpu.memory_space<hbm>>) target(%arg10 : memref<80x128xi32, #tpu.memory_space<vmem>>) target_semaphore(%run_scoped3A : memref<!tpu.dma_semaphore, #tpu.memory_space<semaphore_mem>>)
      %dma_wait3A_101 = arith.constant 0 : i32
      %dma_wait3A_102 = tpu.memref_slice %arg5[%mul3A_2, %dma_wait3A_101] : memref<2560x128xi32, #tpu.memory_space<hbm>> -> memref<80x128xi32, #tpu.memory_space<hbm>>
      %dma_wait3A_103 = arith.constant 0 : i32
      %dma_wait3A_104 = tpu.memref_slice %arg5[%mul3A_2, %dma_wait3A_103] : memref<2560x128xi32, #tpu.memory_space<hbm>> -> memref<80x128xi32, #tpu.memory_space<hbm>>
      tpu.wait_dma2 semaphore(%run_scoped3A : memref<!tpu.dma_semaphore, #tpu.memory_space<semaphore_mem>>) src(%dma_wait3A_104 : memref<80x128xi32, #tpu.memory_space<hbm>>) dst(%arg10 : memref<80x128xi32, #tpu.memory_space<vmem>>)
      tpu.yield
    }) : () -> ()
    %mul3A_3 = arith.constant 632 : i32
    %mul3A_4 = arith.muli %arg1, %mul3A_3 : i32
    %mul3A_5 = arith.constant 632 : i32
    %mul3A_6 = arith.muli %arg1, %mul3A_5 : i32
    "tpu.region"() ({
      %run_scoped3A = tpu.sem_alloc : memref<!tpu.dma_semaphore, #tpu.memory_space<semaphore_mem>>
      %dma_start3A_97 = arith.constant 0 : i32
      %dma_start3A_98 = tpu.memref_slice %arg13[%mul3A_6, %dma_start3A_97] : memref<10112x64xf32, #tpu.memory_space<vmem_shared>> -> memref<632x64xf32, #tpu.memory_space<vmem_shared>>
      %dma_start3A_99 = arith.constant 0 : i32
      %dma_start3A_100 = tpu.memref_slice %arg2[%mul3A_4, %dma_start3A_99] : memref<10112x64xf32, #tpu.memory_space<hbm>> -> memref<632x64xf32, #tpu.memory_space<hbm>>
      tpu.enqueue_dma source(%dma_start3A_100 : memref<632x64xf32, #tpu.memory_space<hbm>>) target(%dma_start3A_98 : memref<632x64xf32, #tpu.memory_space<vmem_shared>>) target_semaphore(%run_scoped3A : memref<!tpu.dma_semaphore, #tpu.memory_space<semaphore_mem>>)
      %dma_wait3A_101 = arith.constant 0 : i32
      %dma_wait3A_102 = tpu.memref_slice %arg13[%mul3A_6, %dma_wait3A_101] : memref<10112x64xf32, #tpu.memory_space<vmem_shared>> -> memref<632x64xf32, #tpu.memory_space<vmem_shared>>
      %dma_wait3A_103 = arith.constant 0 : i32
      %dma_wait3A_104 = tpu.memref_slice %arg2[%mul3A_4, %dma_wait3A_103] : memref<10112x64xf32, #tpu.memory_space<hbm>> -> memref<632x64xf32, #tpu.memory_space<hbm>>
      tpu.wait_dma2 semaphore(%run_scoped3A : memref<!tpu.dma_semaphore, #tpu.memory_space<semaphore_mem>>) src(%dma_wait3A_104 : memref<632x64xf32, #tpu.memory_space<hbm>>) dst(%dma_wait3A_102 : memref<632x64xf32, #tpu.memory_space<vmem_shared>>)
      tpu.yield
    }) : () -> ()
    %mul3A_7 = arith.constant 632 : i32
    %mul3A_8 = arith.muli %arg1, %mul3A_7 : i32
    %mul3A_9 = arith.constant 632 : i32
    %mul3A_10 = arith.muli %arg1, %mul3A_9 : i32
    "tpu.region"() ({
      %run_scoped3A = tpu.sem_alloc : memref<!tpu.dma_semaphore, #tpu.memory_space<semaphore_mem>>
      %dma_start3A_97 = arith.constant 0 : i32
      %dma_start3A_98 = tpu.memref_slice %arg14[%mul3A_10, %dma_start3A_97] : memref<10112x64xf32, #tpu.memory_space<vmem_shared>> -> memref<632x64xf32, #tpu.memory_space<vmem_shared>>
      %dma_start3A_99 = arith.constant 0 : i32
      %dma_start3A_100 = tpu.memref_slice %arg6[%mul3A_8, %dma_start3A_99] : memref<10112x64xf32, #tpu.memory_space<hbm>> -> memref<632x64xf32, #tpu.memory_space<hbm>>
      tpu.enqueue_dma source(%dma_start3A_100 : memref<632x64xf32, #tpu.memory_space<hbm>>) target(%dma_start3A_98 : memref<632x64xf32, #tpu.memory_space<vmem_shared>>) target_semaphore(%run_scoped3A : memref<!tpu.dma_semaphore, #tpu.memory_space<semaphore_mem>>)
      %dma_wait3A_101 = arith.constant 0 : i32
      %dma_wait3A_102 = tpu.memref_slice %arg14[%mul3A_10, %dma_wait3A_101] : memref<10112x64xf32, #tpu.memory_space<vmem_shared>> -> memref<632x64xf32, #tpu.memory_space<vmem_shared>>
      %dma_wait3A_103 = arith.constant 0 : i32
      %dma_wait3A_104 = tpu.memref_slice %arg6[%mul3A_8, %dma_wait3A_103] : memref<10112x64xf32, #tpu.memory_space<hbm>> -> memref<632x64xf32, #tpu.memory_space<hbm>>
      tpu.wait_dma2 semaphore(%run_scoped3A : memref<!tpu.dma_semaphore, #tpu.memory_space<semaphore_mem>>) src(%dma_wait3A_104 : memref<632x64xf32, #tpu.memory_space<hbm>>) dst(%dma_wait3A_102 : memref<632x64xf32, #tpu.memory_space<vmem_shared>>)
      tpu.yield
    }) : () -> ()
    %barrier3A = arith.constant 0 : index
    tpu.barrier barrier_id(%barrier3A)
    %dma_start3A = arith.constant 0 : i32
    %dma_start3A_11 = arith.constant 0 : i32
    %dma_start3A_12 = tpu.memref_slice %arg9[%dma_start3A, %dma_start3A_11] : memref<80x128xi32, #tpu.memory_space<vmem>> -> memref<1x128xi32, #tpu.memory_space<vmem>>
    %dma_start3A_13 = tpu.memref_squeeze %dma_start3A_12 : memref<1x128xi32, #tpu.memory_space<vmem>> -> memref<128xi32, #tpu.memory_space<vmem>>
    %dma_start3A_14 = arith.constant 0 : i32
    %dma_start3A_15 = arith.constant 0 : i32
    %dma_start3A_16 = tpu.memref_slice %arg13[%dma_start3A_14, %dma_start3A_15] : memref<10112x64xf32, #tpu.memory_space<vmem_shared>> -> memref<10112x64xf32, #tpu.memory_space<vmem_shared>>
    tpu.enqueue_indirect_dma source(%dma_start3A_16 : memref<10112x64xf32, #tpu.memory_space<vmem_shared>>) target(%arg11 : memref<128x64xf32, #tpu.memory_space<vmem>>) offsets(%dma_start3A_13 : memref<128xi32, #tpu.memory_space<vmem>>) semaphore(%arg15 : memref<!tpu.dma_semaphore, #tpu.memory_space<semaphore_mem>>)
    %dma_start3A_17 = arith.constant 1 : i32
    %dma_start3A_18 = arith.constant 0 : i32
    %dma_start3A_19 = tpu.memref_slice %arg9[%dma_start3A_17, %dma_start3A_18] : memref<80x128xi32, #tpu.memory_space<vmem>> -> memref<1x128xi32, #tpu.memory_space<vmem>>
    %dma_start3A_20 = tpu.memref_squeeze %dma_start3A_19 : memref<1x128xi32, #tpu.memory_space<vmem>> -> memref<128xi32, #tpu.memory_space<vmem>>
    %dma_start3A_21 = arith.constant 0 : i32
    %dma_start3A_22 = arith.constant 0 : i32
    %dma_start3A_23 = tpu.memref_slice %arg13[%dma_start3A_21, %dma_start3A_22] : memref<10112x64xf32, #tpu.memory_space<vmem_shared>> -> memref<10112x64xf32, #tpu.memory_space<vmem_shared>>
    tpu.enqueue_indirect_dma source(%dma_start3A_23 : memref<10112x64xf32, #tpu.memory_space<vmem_shared>>) target(%arg12 : memref<128x64xf32, #tpu.memory_space<vmem>>) offsets(%dma_start3A_20 : memref<128xi32, #tpu.memory_space<vmem>>) semaphore(%arg16 : memref<!tpu.dma_semaphore, #tpu.memory_space<semaphore_mem>>)
    %scan3A = arith.constant 0 : i32
    %scan3A_24 = arith.constant 0 : i32
    %scan3A_25 = arith.constant 40 : i32
    %scan3A_26 = arith.addi %scan3A_24, %scan3A_25 : i32
    %scan3A_27 = arith.constant 1 : i32
    scf.for %scan3A_97 = %scan3A_24 to %scan3A_26 step %scan3A_27  : i32 {
      %mul3A_98 = arith.constant 2 : i32
      %mul3A_99 = arith.muli %scan3A_97, %mul3A_98 : i32
      %add3A_100 = arith.constant 0 : i32
      %add3A_101 = arith.addi %mul3A_99, %add3A_100 : i32
      %dma_wait3A_102 = arith.constant 0 : i32
      %dma_wait3A_103 = arith.constant 0 : i32
      %dma_wait3A_104 = tpu.memref_slice %arg13[%dma_wait3A_102, %dma_wait3A_103] : memref<10112x64xf32, #tpu.memory_space<vmem_shared>> -> memref<128x64xf32, #tpu.memory_space<vmem_shared>>
      %dma_wait3A_105 = arith.constant 0 : i32
      %dma_wait3A_106 = arith.constant 0 : i32
      %dma_wait3A_107 = tpu.memref_slice %arg13[%dma_wait3A_105, %dma_wait3A_106] : memref<10112x64xf32, #tpu.memory_space<vmem_shared>> -> memref<128x64xf32, #tpu.memory_space<vmem_shared>>
      tpu.wait_dma2 semaphore(%arg15 : memref<!tpu.dma_semaphore, #tpu.memory_space<semaphore_mem>>) src(%dma_wait3A_107 : memref<128x64xf32, #tpu.memory_space<vmem_shared>>) dst(%arg11 : memref<128x64xf32, #tpu.memory_space<vmem>>)
      "tpu.region"() ({
        %run_scoped3A = tpu.sem_alloc : memref<!tpu.dma_semaphore, #tpu.memory_space<semaphore_mem>>
        %dma_start3A_137 = arith.constant 0 : i32
        %dma_start3A_138 = tpu.memref_slice %arg10[%add3A_101, %dma_start3A_137] : memref<80x128xi32, #tpu.memory_space<vmem>> -> memref<1x128xi32, #tpu.memory_space<vmem>>
        %dma_start3A_139 = tpu.memref_squeeze %dma_start3A_138 : memref<1x128xi32, #tpu.memory_space<vmem>> -> memref<128xi32, #tpu.memory_space<vmem>>
        %dma_start3A_140 = arith.constant 0 : i32
        %dma_start3A_141 = arith.constant 0 : i32
        %dma_start3A_142 = tpu.memref_slice %arg14[%dma_start3A_140, %dma_start3A_141] : memref<10112x64xf32, #tpu.memory_space<vmem_shared>> -> memref<10112x64xf32, #tpu.memory_space<vmem_shared>>
        tpu.enqueue_indirect_dma source(%arg11 : memref<128x64xf32, #tpu.memory_space<vmem>>) target(%dma_start3A_142 : memref<10112x64xf32, #tpu.memory_space<vmem_shared>>) offsets(%dma_start3A_139 : memref<128xi32, #tpu.memory_space<vmem>>) semaphore(%run_scoped3A : memref<!tpu.dma_semaphore, #tpu.memory_space<semaphore_mem>>) {add = true}
        %dma_wait3A_143 = arith.constant 0 : i32
        %dma_wait3A_144 = tpu.memref_slice %arg10[%add3A_101, %dma_wait3A_143] : memref<80x128xi32, #tpu.memory_space<vmem>> -> memref<1x128xi32, #tpu.memory_space<vmem>>
        %dma_wait3A_145 = tpu.memref_squeeze %dma_wait3A_144 : memref<1x128xi32, #tpu.memory_space<vmem>> -> memref<128xi32, #tpu.memory_space<vmem>>
        %dma_wait3A_146 = arith.constant 0 : i32
        %dma_wait3A_147 = arith.constant 0 : i32
        %dma_wait3A_148 = tpu.memref_slice %arg14[%dma_wait3A_146, %dma_wait3A_147] : memref<10112x64xf32, #tpu.memory_space<vmem_shared>> -> memref<10112x64xf32, #tpu.memory_space<vmem_shared>>
        tpu.wait_indirect_dma semaphore(%run_scoped3A : memref<!tpu.dma_semaphore, #tpu.memory_space<semaphore_mem>>) src(%arg11 : memref<128x64xf32, #tpu.memory_space<vmem>>) dst(%dma_wait3A_148 : memref<10112x64xf32, #tpu.memory_space<vmem_shared>>)
        tpu.yield
      }) : () -> ()
      %add3A_108 = arith.constant 2 : i32
      %add3A_109 = arith.addi %add3A_101, %add3A_108 : i32
      %min3A = arith.constant 79 : i32
      %min3A_110 = arith.minsi %add3A_109, %min3A : i32
      %dma_start3A_111 = arith.constant 0 : i32
      %dma_start3A_112 = tpu.memref_slice %arg9[%min3A_110, %dma_start3A_111] : memref<80x128xi32, #tpu.memory_space<vmem>> -> memref<1x128xi32, #tpu.memory_space<vmem>>
      %dma_start3A_113 = tpu.memref_squeeze %dma_start3A_112 : memref<1x128xi32, #tpu.memory_space<vmem>> -> memref<128xi32, #tpu.memory_space<vmem>>
      %dma_start3A_114 = arith.constant 0 : i32
      %dma_start3A_115 = arith.constant 0 : i32
      %dma_start3A_116 = tpu.memref_slice %arg13[%dma_start3A_114, %dma_start3A_115] : memref<10112x64xf32, #tpu.memory_space<vmem_shared>> -> memref<10112x64xf32, #tpu.memory_space<vmem_shared>>
      tpu.enqueue_indirect_dma source(%dma_start3A_116 : memref<10112x64xf32, #tpu.memory_space<vmem_shared>>) target(%arg11 : memref<128x64xf32, #tpu.memory_space<vmem>>) offsets(%dma_start3A_113 : memref<128xi32, #tpu.memory_space<vmem>>) semaphore(%arg15 : memref<!tpu.dma_semaphore, #tpu.memory_space<semaphore_mem>>)
      %mul3A_117 = arith.constant 2 : i32
      %mul3A_118 = arith.muli %scan3A_97, %mul3A_117 : i32
      %add3A_119 = arith.constant 1 : i32
      %add3A_120 = arith.addi %mul3A_118, %add3A_119 : i32
      %dma_wait3A_121 = arith.constant 0 : i32
      %dma_wait3A_122 = arith.constant 0 : i32
      %dma_wait3A_123 = tpu.memref_slice %arg13[%dma_wait3A_121, %dma_wait3A_122] : memref<10112x64xf32, #tpu.memory_space<vmem_shared>> -> memref<128x64xf32, #tpu.memory_space<vmem_shared>>
      %dma_wait3A_124 = arith.constant 0 : i32
      %dma_wait3A_125 = arith.constant 0 : i32
      %dma_wait3A_126 = tpu.memref_slice %arg13[%dma_wait3A_124, %dma_wait3A_125] : memref<10112x64xf32, #tpu.memory_space<vmem_shared>> -> memref<128x64xf32, #tpu.memory_space<vmem_shared>>
      tpu.wait_dma2 semaphore(%arg16 : memref<!tpu.dma_semaphore, #tpu.memory_space<semaphore_mem>>) src(%dma_wait3A_126 : memref<128x64xf32, #tpu.memory_space<vmem_shared>>) dst(%arg12 : memref<128x64xf32, #tpu.memory_space<vmem>>)
      "tpu.region"() ({
        %run_scoped3A = tpu.sem_alloc : memref<!tpu.dma_semaphore, #tpu.memory_space<semaphore_mem>>
        %dma_start3A_137 = arith.constant 0 : i32
        %dma_start3A_138 = tpu.memref_slice %arg10[%add3A_120, %dma_start3A_137] : memref<80x128xi32, #tpu.memory_space<vmem>> -> memref<1x128xi32, #tpu.memory_space<vmem>>
        %dma_start3A_139 = tpu.memref_squeeze %dma_start3A_138 : memref<1x128xi32, #tpu.memory_space<vmem>> -> memref<128xi32, #tpu.memory_space<vmem>>
        %dma_start3A_140 = arith.constant 0 : i32
        %dma_start3A_141 = arith.constant 0 : i32
        %dma_start3A_142 = tpu.memref_slice %arg14[%dma_start3A_140, %dma_start3A_141] : memref<10112x64xf32, #tpu.memory_space<vmem_shared>> -> memref<10112x64xf32, #tpu.memory_space<vmem_shared>>
        tpu.enqueue_indirect_dma source(%arg12 : memref<128x64xf32, #tpu.memory_space<vmem>>) target(%dma_start3A_142 : memref<10112x64xf32, #tpu.memory_space<vmem_shared>>) offsets(%dma_start3A_139 : memref<128xi32, #tpu.memory_space<vmem>>) semaphore(%run_scoped3A : memref<!tpu.dma_semaphore, #tpu.memory_space<semaphore_mem>>) {add = true}
        %dma_wait3A_143 = arith.constant 0 : i32
        %dma_wait3A_144 = tpu.memref_slice %arg10[%add3A_120, %dma_wait3A_143] : memref<80x128xi32, #tpu.memory_space<vmem>> -> memref<1x128xi32, #tpu.memory_space<vmem>>
        %dma_wait3A_145 = tpu.memref_squeeze %dma_wait3A_144 : memref<1x128xi32, #tpu.memory_space<vmem>> -> memref<128xi32, #tpu.memory_space<vmem>>
        %dma_wait3A_146 = arith.constant 0 : i32
        %dma_wait3A_147 = arith.constant 0 : i32
        %dma_wait3A_148 = tpu.memref_slice %arg14[%dma_wait3A_146, %dma_wait3A_147] : memref<10112x64xf32, #tpu.memory_space<vmem_shared>> -> memref<10112x64xf32, #tpu.memory_space<vmem_shared>>
        tpu.wait_indirect_dma semaphore(%run_scoped3A : memref<!tpu.dma_semaphore, #tpu.memory_space<semaphore_mem>>) src(%arg12 : memref<128x64xf32, #tpu.memory_space<vmem>>) dst(%dma_wait3A_148 : memref<10112x64xf32, #tpu.memory_space<vmem_shared>>)
        tpu.yield
      }) : () -> ()
      %add3A_127 = arith.constant 2 : i32
      %add3A_128 = arith.addi %add3A_120, %add3A_127 : i32
      %min3A_129 = arith.constant 79 : i32
      %min3A_130 = arith.minsi %add3A_128, %min3A_129 : i32
      %dma_start3A_131 = arith.constant 0 : i32
      %dma_start3A_132 = tpu.memref_slice %arg9[%min3A_130, %dma_start3A_131] : memref<80x128xi32, #tpu.memory_space<vmem>> -> memref<1x128xi32, #tpu.memory_space<vmem>>
      %dma_start3A_133 = tpu.memref_squeeze %dma_start3A_132 : memref<1x128xi32, #tpu.memory_space<vmem>> -> memref<128xi32, #tpu.memory_space<vmem>>
      %dma_start3A_134 = arith.constant 0 : i32
      %dma_start3A_135 = arith.constant 0 : i32
      %dma_start3A_136 = tpu.memref_slice %arg13[%dma_start3A_134, %dma_start3A_135] : memref<10112x64xf32, #tpu.memory_space<vmem_shared>> -> memref<10112x64xf32, #tpu.memory_space<vmem_shared>>
      tpu.enqueue_indirect_dma source(%dma_start3A_136 : memref<10112x64xf32, #tpu.memory_space<vmem_shared>>) target(%arg12 : memref<128x64xf32, #tpu.memory_space<vmem>>) offsets(%dma_start3A_133 : memref<128xi32, #tpu.memory_space<vmem>>) semaphore(%arg16 : memref<!tpu.dma_semaphore, #tpu.memory_space<semaphore_mem>>)
    }
    %scan3A_28 = arith.constant 40 : i32
    %dma_wait3A = arith.constant 0 : i32
    %dma_wait3A_29 = arith.constant 0 : i32
    %dma_wait3A_30 = tpu.memref_slice %arg13[%dma_wait3A, %dma_wait3A_29] : memref<10112x64xf32, #tpu.memory_space<vmem_shared>> -> memref<128x64xf32, #tpu.memory_space<vmem_shared>>
    %dma_wait3A_31 = arith.constant 0 : i32
    %dma_wait3A_32 = arith.constant 0 : i32
    %dma_wait3A_33 = tpu.memref_slice %arg13[%dma_wait3A_31, %dma_wait3A_32] : memref<10112x64xf32, #tpu.memory_space<vmem_shared>> -> memref<128x64xf32, #tpu.memory_space<vmem_shared>>
    tpu.wait_dma2 semaphore(%arg15 : memref<!tpu.dma_semaphore, #tpu.memory_space<semaphore_mem>>) src(%dma_wait3A_33 : memref<128x64xf32, #tpu.memory_space<vmem_shared>>) dst(%arg11 : memref<128x64xf32, #tpu.memory_space<vmem>>)
    %dma_wait3A_34 = arith.constant 0 : i32
    %dma_wait3A_35 = arith.constant 0 : i32
    %dma_wait3A_36 = tpu.memref_slice %arg13[%dma_wait3A_34, %dma_wait3A_35] : memref<10112x64xf32, #tpu.memory_space<vmem_shared>> -> memref<128x64xf32, #tpu.memory_space<vmem_shared>>
    %dma_wait3A_37 = arith.constant 0 : i32
    %dma_wait3A_38 = arith.constant 0 : i32
    %dma_wait3A_39 = tpu.memref_slice %arg13[%dma_wait3A_37, %dma_wait3A_38] : memref<10112x64xf32, #tpu.memory_space<vmem_shared>> -> memref<128x64xf32, #tpu.memory_space<vmem_shared>>
    tpu.wait_dma2 semaphore(%arg16 : memref<!tpu.dma_semaphore, #tpu.memory_space<semaphore_mem>>) src(%dma_wait3A_39 : memref<128x64xf32, #tpu.memory_space<vmem_shared>>) dst(%arg12 : memref<128x64xf32, #tpu.memory_space<vmem>>)
    %barrier3A_40 = arith.constant 0 : index
    tpu.barrier barrier_id(%barrier3A_40)
    %mul3A_41 = arith.constant 632 : i32
    %mul3A_42 = arith.muli %arg1, %mul3A_41 : i32
    %mul3A_43 = arith.constant 10112 : i32
    %mul3A_44 = arith.muli %arg0, %mul3A_43 : i32
    %mul3A_45 = arith.constant 632 : i32
    %mul3A_46 = arith.muli %arg1, %mul3A_45 : i32
    %add3A_47 = arith.addi %mul3A_44, %mul3A_46 : i32
    "tpu.region"() ({
      %run_scoped3A = tpu.sem_alloc : memref<!tpu.dma_semaphore, #tpu.memory_space<semaphore_mem>>
      %dma_start3A_97 = arith.constant 0 : i32
      %dma_start3A_98 = tpu.memref_slice %arg7[%add3A_47, %dma_start3A_97] : memref<20224x64xf32, #tpu.memory_space<hbm>> -> memref<632x64xf32, #tpu.memory_space<hbm>>
      %dma_start3A_99 = arith.constant 0 : i32
      %dma_start3A_100 = tpu.memref_slice %arg14[%mul3A_42, %dma_start3A_99] : memref<10112x64xf32, #tpu.memory_space<vmem_shared>> -> memref<632x64xf32, #tpu.memory_space<vmem_shared>>
      tpu.enqueue_dma source(%dma_start3A_100 : memref<632x64xf32, #tpu.memory_space<vmem_shared>>) target(%dma_start3A_98 : memref<632x64xf32, #tpu.memory_space<hbm>>) target_semaphore(%run_scoped3A : memref<!tpu.dma_semaphore, #tpu.memory_space<semaphore_mem>>)
      %dma_wait3A_101 = arith.constant 0 : i32
      %dma_wait3A_102 = tpu.memref_slice %arg7[%add3A_47, %dma_wait3A_101] : memref<20224x64xf32, #tpu.memory_space<hbm>> -> memref<632x64xf32, #tpu.memory_space<hbm>>
      %dma_wait3A_103 = arith.constant 0 : i32
      %dma_wait3A_104 = tpu.memref_slice %arg14[%mul3A_42, %dma_wait3A_103] : memref<10112x64xf32, #tpu.memory_space<vmem_shared>> -> memref<632x64xf32, #tpu.memory_space<vmem_shared>>
      tpu.wait_dma2 semaphore(%run_scoped3A : memref<!tpu.dma_semaphore, #tpu.memory_space<semaphore_mem>>) src(%dma_wait3A_104 : memref<632x64xf32, #tpu.memory_space<vmem_shared>>) dst(%dma_wait3A_102 : memref<632x64xf32, #tpu.memory_space<hbm>>)
      tpu.yield
    }) : () -> ()
    %mul3A_48 = arith.constant 632 : i32
    %mul3A_49 = arith.muli %arg1, %mul3A_48 : i32
    %mul3A_50 = arith.constant 632 : i32
    %mul3A_51 = arith.muli %arg1, %mul3A_50 : i32
    "tpu.region"() ({
      %run_scoped3A = tpu.sem_alloc : memref<!tpu.dma_semaphore, #tpu.memory_space<semaphore_mem>>
      %dma_start3A_97 = arith.constant 0 : i32
      %dma_start3A_98 = tpu.memref_slice %arg13[%mul3A_51, %dma_start3A_97] : memref<10112x64xf32, #tpu.memory_space<vmem_shared>> -> memref<632x64xf32, #tpu.memory_space<vmem_shared>>
      %dma_start3A_99 = arith.constant 0 : i32
      %dma_start3A_100 = tpu.memref_slice %arg3[%mul3A_49, %dma_start3A_99] : memref<10112x64xf32, #tpu.memory_space<hbm>> -> memref<632x64xf32, #tpu.memory_space<hbm>>
      tpu.enqueue_dma source(%dma_start3A_100 : memref<632x64xf32, #tpu.memory_space<hbm>>) target(%dma_start3A_98 : memref<632x64xf32, #tpu.memory_space<vmem_shared>>) target_semaphore(%run_scoped3A : memref<!tpu.dma_semaphore, #tpu.memory_space<semaphore_mem>>)
      %dma_wait3A_101 = arith.constant 0 : i32
      %dma_wait3A_102 = tpu.memref_slice %arg13[%mul3A_51, %dma_wait3A_101] : memref<10112x64xf32, #tpu.memory_space<vmem_shared>> -> memref<632x64xf32, #tpu.memory_space<vmem_shared>>
      %dma_wait3A_103 = arith.constant 0 : i32
      %dma_wait3A_104 = tpu.memref_slice %arg3[%mul3A_49, %dma_wait3A_103] : memref<10112x64xf32, #tpu.memory_space<hbm>> -> memref<632x64xf32, #tpu.memory_space<hbm>>
      tpu.wait_dma2 semaphore(%run_scoped3A : memref<!tpu.dma_semaphore, #tpu.memory_space<semaphore_mem>>) src(%dma_wait3A_104 : memref<632x64xf32, #tpu.memory_space<hbm>>) dst(%dma_wait3A_102 : memref<632x64xf32, #tpu.memory_space<vmem_shared>>)
      tpu.yield
    }) : () -> ()
    %mul3A_52 = arith.constant 632 : i32
    %mul3A_53 = arith.muli %arg1, %mul3A_52 : i32
    %mul3A_54 = arith.constant 632 : i32
    %mul3A_55 = arith.muli %arg1, %mul3A_54 : i32
    "tpu.region"() ({
      %run_scoped3A = tpu.sem_alloc : memref<!tpu.dma_semaphore, #tpu.memory_space<semaphore_mem>>
      %dma_start3A_97 = arith.constant 0 : i32
      %dma_start3A_98 = tpu.memref_slice %arg14[%mul3A_55, %dma_start3A_97] : memref<10112x64xf32, #tpu.memory_space<vmem_shared>> -> memref<632x64xf32, #tpu.memory_space<vmem_shared>>
      %dma_start3A_99 = arith.constant 0 : i32
      %dma_start3A_100 = tpu.memref_slice %arg6[%mul3A_53, %dma_start3A_99] : memref<10112x64xf32, #tpu.memory_space<hbm>> -> memref<632x64xf32, #tpu.memory_space<hbm>>
      tpu.enqueue_dma source(%dma_start3A_100 : memref<632x64xf32, #tpu.memory_space<hbm>>) target(%dma_start3A_98 : memref<632x64xf32, #tpu.memory_space<vmem_shared>>) target_semaphore(%run_scoped3A : memref<!tpu.dma_semaphore, #tpu.memory_space<semaphore_mem>>)
      %dma_wait3A_101 = arith.constant 0 : i32
      %dma_wait3A_102 = tpu.memref_slice %arg14[%mul3A_55, %dma_wait3A_101] : memref<10112x64xf32, #tpu.memory_space<vmem_shared>> -> memref<632x64xf32, #tpu.memory_space<vmem_shared>>
      %dma_wait3A_103 = arith.constant 0 : i32
      %dma_wait3A_104 = tpu.memref_slice %arg6[%mul3A_53, %dma_wait3A_103] : memref<10112x64xf32, #tpu.memory_space<hbm>> -> memref<632x64xf32, #tpu.memory_space<hbm>>
      tpu.wait_dma2 semaphore(%run_scoped3A : memref<!tpu.dma_semaphore, #tpu.memory_space<semaphore_mem>>) src(%dma_wait3A_104 : memref<632x64xf32, #tpu.memory_space<hbm>>) dst(%dma_wait3A_102 : memref<632x64xf32, #tpu.memory_space<vmem_shared>>)
      tpu.yield
    }) : () -> ()
    %barrier3A_56 = arith.constant 0 : index
    tpu.barrier barrier_id(%barrier3A_56)
    %dma_start3A_57 = arith.constant 0 : i32
    %dma_start3A_58 = arith.constant 0 : i32
    %dma_start3A_59 = tpu.memref_slice %arg9[%dma_start3A_57, %dma_start3A_58] : memref<80x128xi32, #tpu.memory_space<vmem>> -> memref<1x128xi32, #tpu.memory_space<vmem>>
    %dma_start3A_60 = tpu.memref_squeeze %dma_start3A_59 : memref<1x128xi32, #tpu.memory_space<vmem>> -> memref<128xi32, #tpu.memory_space<vmem>>
    %dma_start3A_61 = arith.constant 0 : i32
    %dma_start3A_62 = arith.constant 0 : i32
    %dma_start3A_63 = tpu.memref_slice %arg13[%dma_start3A_61, %dma_start3A_62] : memref<10112x64xf32, #tpu.memory_space<vmem_shared>> -> memref<10112x64xf32, #tpu.memory_space<vmem_shared>>
    tpu.enqueue_indirect_dma source(%dma_start3A_63 : memref<10112x64xf32, #tpu.memory_space<vmem_shared>>) target(%arg11 : memref<128x64xf32, #tpu.memory_space<vmem>>) offsets(%dma_start3A_60 : memref<128xi32, #tpu.memory_space<vmem>>) semaphore(%arg15 : memref<!tpu.dma_semaphore, #tpu.memory_space<semaphore_mem>>)
    %dma_start3A_64 = arith.constant 1 : i32
    %dma_start3A_65 = arith.constant 0 : i32
    %dma_start3A_66 = tpu.memref_slice %arg9[%dma_start3A_64, %dma_start3A_65] : memref<80x128xi32, #tpu.memory_space<vmem>> -> memref<1x128xi32, #tpu.memory_space<vmem>>
    %dma_start3A_67 = tpu.memref_squeeze %dma_start3A_66 : memref<1x128xi32, #tpu.memory_space<vmem>> -> memref<128xi32, #tpu.memory_space<vmem>>
    %dma_start3A_68 = arith.constant 0 : i32
    %dma_start3A_69 = arith.constant 0 : i32
    %dma_start3A_70 = tpu.memref_slice %arg13[%dma_start3A_68, %dma_start3A_69] : memref<10112x64xf32, #tpu.memory_space<vmem_shared>> -> memref<10112x64xf32, #tpu.memory_space<vmem_shared>>
    tpu.enqueue_indirect_dma source(%dma_start3A_70 : memref<10112x64xf32, #tpu.memory_space<vmem_shared>>) target(%arg12 : memref<128x64xf32, #tpu.memory_space<vmem>>) offsets(%dma_start3A_67 : memref<128xi32, #tpu.memory_space<vmem>>) semaphore(%arg16 : memref<!tpu.dma_semaphore, #tpu.memory_space<semaphore_mem>>)
    %scan3A_71 = arith.constant 0 : i32
    %scan3A_72 = arith.constant 0 : i32
    %scan3A_73 = arith.constant 40 : i32
    %scan3A_74 = arith.addi %scan3A_72, %scan3A_73 : i32
    %scan3A_75 = arith.constant 1 : i32
    scf.for %scan3A_97 = %scan3A_72 to %scan3A_74 step %scan3A_75  : i32 {
      %mul3A_98 = arith.constant 2 : i32
      %mul3A_99 = arith.muli %scan3A_97, %mul3A_98 : i32
      %add3A_100 = arith.constant 0 : i32
      %add3A_101 = arith.addi %mul3A_99, %add3A_100 : i32
      %dma_wait3A_102 = arith.constant 0 : i32
      %dma_wait3A_103 = arith.constant 0 : i32
      %dma_wait3A_104 = tpu.memref_slice %arg13[%dma_wait3A_102, %dma_wait3A_103] : memref<10112x64xf32, #tpu.memory_space<vmem_shared>> -> memref<128x64xf32, #tpu.memory_space<vmem_shared>>
      %dma_wait3A_105 = arith.constant 0 : i32
      %dma_wait3A_106 = arith.constant 0 : i32
      %dma_wait3A_107 = tpu.memref_slice %arg13[%dma_wait3A_105, %dma_wait3A_106] : memref<10112x64xf32, #tpu.memory_space<vmem_shared>> -> memref<128x64xf32, #tpu.memory_space<vmem_shared>>
      tpu.wait_dma2 semaphore(%arg15 : memref<!tpu.dma_semaphore, #tpu.memory_space<semaphore_mem>>) src(%dma_wait3A_107 : memref<128x64xf32, #tpu.memory_space<vmem_shared>>) dst(%arg11 : memref<128x64xf32, #tpu.memory_space<vmem>>)
      "tpu.region"() ({
        %run_scoped3A = tpu.sem_alloc : memref<!tpu.dma_semaphore, #tpu.memory_space<semaphore_mem>>
        %dma_start3A_137 = arith.constant 0 : i32
        %dma_start3A_138 = tpu.memref_slice %arg10[%add3A_101, %dma_start3A_137] : memref<80x128xi32, #tpu.memory_space<vmem>> -> memref<1x128xi32, #tpu.memory_space<vmem>>
        %dma_start3A_139 = tpu.memref_squeeze %dma_start3A_138 : memref<1x128xi32, #tpu.memory_space<vmem>> -> memref<128xi32, #tpu.memory_space<vmem>>
        %dma_start3A_140 = arith.constant 0 : i32
        %dma_start3A_141 = arith.constant 0 : i32
        %dma_start3A_142 = tpu.memref_slice %arg14[%dma_start3A_140, %dma_start3A_141] : memref<10112x64xf32, #tpu.memory_space<vmem_shared>> -> memref<10112x64xf32, #tpu.memory_space<vmem_shared>>
        tpu.enqueue_indirect_dma source(%arg11 : memref<128x64xf32, #tpu.memory_space<vmem>>) target(%dma_start3A_142 : memref<10112x64xf32, #tpu.memory_space<vmem_shared>>) offsets(%dma_start3A_139 : memref<128xi32, #tpu.memory_space<vmem>>) semaphore(%run_scoped3A : memref<!tpu.dma_semaphore, #tpu.memory_space<semaphore_mem>>) {add = true}
        %dma_wait3A_143 = arith.constant 0 : i32
        %dma_wait3A_144 = tpu.memref_slice %arg10[%add3A_101, %dma_wait3A_143] : memref<80x128xi32, #tpu.memory_space<vmem>> -> memref<1x128xi32, #tpu.memory_space<vmem>>
        %dma_wait3A_145 = tpu.memref_squeeze %dma_wait3A_144 : memref<1x128xi32, #tpu.memory_space<vmem>> -> memref<128xi32, #tpu.memory_space<vmem>>
        %dma_wait3A_146 = arith.constant 0 : i32
        %dma_wait3A_147 = arith.constant 0 : i32
        %dma_wait3A_148 = tpu.memref_slice %arg14[%dma_wait3A_146, %dma_wait3A_147] : memref<10112x64xf32, #tpu.memory_space<vmem_shared>> -> memref<10112x64xf32, #tpu.memory_space<vmem_shared>>
        tpu.wait_indirect_dma semaphore(%run_scoped3A : memref<!tpu.dma_semaphore, #tpu.memory_space<semaphore_mem>>) src(%arg11 : memref<128x64xf32, #tpu.memory_space<vmem>>) dst(%dma_wait3A_148 : memref<10112x64xf32, #tpu.memory_space<vmem_shared>>)
        tpu.yield
      }) : () -> ()
      %add3A_108 = arith.constant 2 : i32
      %add3A_109 = arith.addi %add3A_101, %add3A_108 : i32
      %min3A = arith.constant 79 : i32
      %min3A_110 = arith.minsi %add3A_109, %min3A : i32
      %dma_start3A_111 = arith.constant 0 : i32
      %dma_start3A_112 = tpu.memref_slice %arg9[%min3A_110, %dma_start3A_111] : memref<80x128xi32, #tpu.memory_space<vmem>> -> memref<1x128xi32, #tpu.memory_space<vmem>>
      %dma_start3A_113 = tpu.memref_squeeze %dma_start3A_112 : memref<1x128xi32, #tpu.memory_space<vmem>> -> memref<128xi32, #tpu.memory_space<vmem>>
      %dma_start3A_114 = arith.constant 0 : i32
      %dma_start3A_115 = arith.constant 0 : i32
      %dma_start3A_116 = tpu.memref_slice %arg13[%dma_start3A_114, %dma_start3A_115] : memref<10112x64xf32, #tpu.memory_space<vmem_shared>> -> memref<10112x64xf32, #tpu.memory_space<vmem_shared>>
      tpu.enqueue_indirect_dma source(%dma_start3A_116 : memref<10112x64xf32, #tpu.memory_space<vmem_shared>>) target(%arg11 : memref<128x64xf32, #tpu.memory_space<vmem>>) offsets(%dma_start3A_113 : memref<128xi32, #tpu.memory_space<vmem>>) semaphore(%arg15 : memref<!tpu.dma_semaphore, #tpu.memory_space<semaphore_mem>>)
      %mul3A_117 = arith.constant 2 : i32
      %mul3A_118 = arith.muli %scan3A_97, %mul3A_117 : i32
      %add3A_119 = arith.constant 1 : i32
      %add3A_120 = arith.addi %mul3A_118, %add3A_119 : i32
      %dma_wait3A_121 = arith.constant 0 : i32
      %dma_wait3A_122 = arith.constant 0 : i32
      %dma_wait3A_123 = tpu.memref_slice %arg13[%dma_wait3A_121, %dma_wait3A_122] : memref<10112x64xf32, #tpu.memory_space<vmem_shared>> -> memref<128x64xf32, #tpu.memory_space<vmem_shared>>
      %dma_wait3A_124 = arith.constant 0 : i32
      %dma_wait3A_125 = arith.constant 0 : i32
      %dma_wait3A_126 = tpu.memref_slice %arg13[%dma_wait3A_124, %dma_wait3A_125] : memref<10112x64xf32, #tpu.memory_space<vmem_shared>> -> memref<128x64xf32, #tpu.memory_space<vmem_shared>>
      tpu.wait_dma2 semaphore(%arg16 : memref<!tpu.dma_semaphore, #tpu.memory_space<semaphore_mem>>) src(%dma_wait3A_126 : memref<128x64xf32, #tpu.memory_space<vmem_shared>>) dst(%arg12 : memref<128x64xf32, #tpu.memory_space<vmem>>)
      "tpu.region"() ({
        %run_scoped3A = tpu.sem_alloc : memref<!tpu.dma_semaphore, #tpu.memory_space<semaphore_mem>>
        %dma_start3A_137 = arith.constant 0 : i32
        %dma_start3A_138 = tpu.memref_slice %arg10[%add3A_120, %dma_start3A_137] : memref<80x128xi32, #tpu.memory_space<vmem>> -> memref<1x128xi32, #tpu.memory_space<vmem>>
        %dma_start3A_139 = tpu.memref_squeeze %dma_start3A_138 : memref<1x128xi32, #tpu.memory_space<vmem>> -> memref<128xi32, #tpu.memory_space<vmem>>
        %dma_start3A_140 = arith.constant 0 : i32
        %dma_start3A_141 = arith.constant 0 : i32
        %dma_start3A_142 = tpu.memref_slice %arg14[%dma_start3A_140, %dma_start3A_141] : memref<10112x64xf32, #tpu.memory_space<vmem_shared>> -> memref<10112x64xf32, #tpu.memory_space<vmem_shared>>
        tpu.enqueue_indirect_dma source(%arg12 : memref<128x64xf32, #tpu.memory_space<vmem>>) target(%dma_start3A_142 : memref<10112x64xf32, #tpu.memory_space<vmem_shared>>) offsets(%dma_start3A_139 : memref<128xi32, #tpu.memory_space<vmem>>) semaphore(%run_scoped3A : memref<!tpu.dma_semaphore, #tpu.memory_space<semaphore_mem>>) {add = true}
        %dma_wait3A_143 = arith.constant 0 : i32
        %dma_wait3A_144 = tpu.memref_slice %arg10[%add3A_120, %dma_wait3A_143] : memref<80x128xi32, #tpu.memory_space<vmem>> -> memref<1x128xi32, #tpu.memory_space<vmem>>
        %dma_wait3A_145 = tpu.memref_squeeze %dma_wait3A_144 : memref<1x128xi32, #tpu.memory_space<vmem>> -> memref<128xi32, #tpu.memory_space<vmem>>
        %dma_wait3A_146 = arith.constant 0 : i32
        %dma_wait3A_147 = arith.constant 0 : i32
        %dma_wait3A_148 = tpu.memref_slice %arg14[%dma_wait3A_146, %dma_wait3A_147] : memref<10112x64xf32, #tpu.memory_space<vmem_shared>> -> memref<10112x64xf32, #tpu.memory_space<vmem_shared>>
        tpu.wait_indirect_dma semaphore(%run_scoped3A : memref<!tpu.dma_semaphore, #tpu.memory_space<semaphore_mem>>) src(%arg12 : memref<128x64xf32, #tpu.memory_space<vmem>>) dst(%dma_wait3A_148 : memref<10112x64xf32, #tpu.memory_space<vmem_shared>>)
        tpu.yield
      }) : () -> ()
      %add3A_127 = arith.constant 2 : i32
      %add3A_128 = arith.addi %add3A_120, %add3A_127 : i32
      %min3A_129 = arith.constant 79 : i32
      %min3A_130 = arith.minsi %add3A_128, %min3A_129 : i32
      %dma_start3A_131 = arith.constant 0 : i32
      %dma_start3A_132 = tpu.memref_slice %arg9[%min3A_130, %dma_start3A_131] : memref<80x128xi32, #tpu.memory_space<vmem>> -> memref<1x128xi32, #tpu.memory_space<vmem>>
      %dma_start3A_133 = tpu.memref_squeeze %dma_start3A_132 : memref<1x128xi32, #tpu.memory_space<vmem>> -> memref<128xi32, #tpu.memory_space<vmem>>
      %dma_start3A_134 = arith.constant 0 : i32
      %dma_start3A_135 = arith.constant 0 : i32
      %dma_start3A_136 = tpu.memref_slice %arg13[%dma_start3A_134, %dma_start3A_135] : memref<10112x64xf32, #tpu.memory_space<vmem_shared>> -> memref<10112x64xf32, #tpu.memory_space<vmem_shared>>
      tpu.enqueue_indirect_dma source(%dma_start3A_136 : memref<10112x64xf32, #tpu.memory_space<vmem_shared>>) target(%arg12 : memref<128x64xf32, #tpu.memory_space<vmem>>) offsets(%dma_start3A_133 : memref<128xi32, #tpu.memory_space<vmem>>) semaphore(%arg16 : memref<!tpu.dma_semaphore, #tpu.memory_space<semaphore_mem>>)
    }
    %scan3A_76 = arith.constant 40 : i32
    %dma_wait3A_77 = arith.constant 0 : i32
    %dma_wait3A_78 = arith.constant 0 : i32
    %dma_wait3A_79 = tpu.memref_slice %arg13[%dma_wait3A_77, %dma_wait3A_78] : memref<10112x64xf32, #tpu.memory_space<vmem_shared>> -> memref<128x64xf32, #tpu.memory_space<vmem_shared>>
    %dma_wait3A_80 = arith.constant 0 : i32
    %dma_wait3A_81 = arith.constant 0 : i32
    %dma_wait3A_82 = tpu.memref_slice %arg13[%dma_wait3A_80, %dma_wait3A_81] : memref<10112x64xf32, #tpu.memory_space<vmem_shared>> -> memref<128x64xf32, #tpu.memory_space<vmem_shared>>
    tpu.wait_dma2 semaphore(%arg15 : memref<!tpu.dma_semaphore, #tpu.memory_space<semaphore_mem>>) src(%dma_wait3A_82 : memref<128x64xf32, #tpu.memory_space<vmem_shared>>) dst(%arg11 : memref<128x64xf32, #tpu.memory_space<vmem>>)
    %dma_wait3A_83 = arith.constant 0 : i32
    %dma_wait3A_84 = arith.constant 0 : i32
    %dma_wait3A_85 = tpu.memref_slice %arg13[%dma_wait3A_83, %dma_wait3A_84] : memref<10112x64xf32, #tpu.memory_space<vmem_shared>> -> memref<128x64xf32, #tpu.memory_space<vmem_shared>>
    %dma_wait3A_86 = arith.constant 0 : i32
    %dma_wait3A_87 = arith.constant 0 : i32
    %dma_wait3A_88 = tpu.memref_slice %arg13[%dma_wait3A_86, %dma_wait3A_87] : memref<10112x64xf32, #tpu.memory_space<vmem_shared>> -> memref<128x64xf32, #tpu.memory_space<vmem_shared>>
    tpu.wait_dma2 semaphore(%arg16 : memref<!tpu.dma_semaphore, #tpu.memory_space<semaphore_mem>>) src(%dma_wait3A_88 : memref<128x64xf32, #tpu.memory_space<vmem_shared>>) dst(%arg12 : memref<128x64xf32, #tpu.memory_space<vmem>>)
    %barrier3A_89 = arith.constant 0 : index
    tpu.barrier barrier_id(%barrier3A_89)
    %mul3A_90 = arith.constant 632 : i32
    %mul3A_91 = arith.muli %arg1, %mul3A_90 : i32
    %mul3A_92 = arith.constant 10112 : i32
    %mul3A_93 = arith.muli %arg0, %mul3A_92 : i32
    %mul3A_94 = arith.constant 632 : i32
    %mul3A_95 = arith.muli %arg1, %mul3A_94 : i32
    %add3A_96 = arith.addi %mul3A_93, %mul3A_95 : i32
    "tpu.region"() ({
      %run_scoped3A = tpu.sem_alloc : memref<!tpu.dma_semaphore, #tpu.memory_space<semaphore_mem>>
      %dma_start3A_97 = arith.constant 0 : i32
      %dma_start3A_98 = tpu.memref_slice %arg8[%add3A_96, %dma_start3A_97] : memref<20224x64xf32, #tpu.memory_space<hbm>> -> memref<632x64xf32, #tpu.memory_space<hbm>>
      %dma_start3A_99 = arith.constant 0 : i32
      %dma_start3A_100 = tpu.memref_slice %arg14[%mul3A_91, %dma_start3A_99] : memref<10112x64xf32, #tpu.memory_space<vmem_shared>> -> memref<632x64xf32, #tpu.memory_space<vmem_shared>>
      tpu.enqueue_dma source(%dma_start3A_100 : memref<632x64xf32, #tpu.memory_space<vmem_shared>>) target(%dma_start3A_98 : memref<632x64xf32, #tpu.memory_space<hbm>>) target_semaphore(%run_scoped3A : memref<!tpu.dma_semaphore, #tpu.memory_space<semaphore_mem>>)
      %dma_wait3A_101 = arith.constant 0 : i32
      %dma_wait3A_102 = tpu.memref_slice %arg8[%add3A_96, %dma_wait3A_101] : memref<20224x64xf32, #tpu.memory_space<hbm>> -> memref<632x64xf32, #tpu.memory_space<hbm>>
      %dma_wait3A_103 = arith.constant 0 : i32
      %dma_wait3A_104 = tpu.memref_slice %arg14[%mul3A_91, %dma_wait3A_103] : memref<10112x64xf32, #tpu.memory_space<vmem_shared>> -> memref<632x64xf32, #tpu.memory_space<vmem_shared>>
      tpu.wait_dma2 semaphore(%run_scoped3A : memref<!tpu.dma_semaphore, #tpu.memory_space<semaphore_mem>>) src(%dma_wait3A_104 : memref<632x64xf32, #tpu.memory_space<vmem_shared>>) dst(%dma_wait3A_102 : memref<632x64xf32, #tpu.memory_space<hbm>>)
      tpu.yield
    }) : () -> ()
    return
  }
}

#map = affine_map<(d0, d1) -> (0, 0)>
module attributes {stable_mosaic.version = 14 : i64} {
  func.func @deg_kernel(%arg0: i32, %arg1: i32, %arg2: memref<2560x128xi32, #tpu.memory_space<hbm>>, %arg3: memref<10112x16xf32, #tpu.memory_space<hbm>>, %arg4: memref<128x16xf32, #tpu.memory_space<hbm>>, %arg5: memref<20224x16xf32, #tpu.memory_space<hbm>>, %arg6: memref<80x128xi32, #tpu.memory_space<vmem>>, %arg7: memref<128x16xf32, #tpu.memory_space<vmem>>, %arg8: memref<10112x16xf32, #tpu.memory_space<vmem_shared>>) attributes {dimension_semantics = [#tpu.dimension_semantics<core_parallel>, #tpu.dimension_semantics<subcore_parallel>], iteration_bounds = array<i64: 2, 16>, scalar_prefetch = 0 : i64, scratch_operands = 3 : i64, tpu.core_type = #tpu.core_type<sc_vector_subcore>, window_params = [{transform_indices = #map}, {transform_indices = #map}, {transform_indices = #map}, {transform_indices = #map}]} {
    %mul3A = arith.constant 16 : i32
    %mul3A_0 = arith.muli %arg0, %mul3A : i32
    %add3A = arith.addi %mul3A_0, %arg1 : i32
    %mul3A_1 = arith.constant 80 : i32
    %mul3A_2 = arith.muli %add3A, %mul3A_1 : i32
    "tpu.region"() ({
      %run_scoped3A = tpu.sem_alloc : memref<!tpu.dma_semaphore, #tpu.memory_space<semaphore_mem>>
      tpu.enqueue_dma source(%arg4 : memref<128x16xf32, #tpu.memory_space<hbm>>) target(%arg7 : memref<128x16xf32, #tpu.memory_space<vmem>>) target_semaphore(%run_scoped3A : memref<!tpu.dma_semaphore, #tpu.memory_space<semaphore_mem>>)
      tpu.wait_dma2 semaphore(%run_scoped3A : memref<!tpu.dma_semaphore, #tpu.memory_space<semaphore_mem>>) src(%arg4 : memref<128x16xf32, #tpu.memory_space<hbm>>) dst(%arg7 : memref<128x16xf32, #tpu.memory_space<vmem>>)
      tpu.yield
    }) : () -> ()
    "tpu.region"() ({
      %run_scoped3A = tpu.sem_alloc : memref<!tpu.dma_semaphore, #tpu.memory_space<semaphore_mem>>
      %dma_start3A = arith.constant 0 : i32
      %dma_start3A_20 = tpu.memref_slice %arg2[%mul3A_2, %dma_start3A] : memref<2560x128xi32, #tpu.memory_space<hbm>> -> memref<80x128xi32, #tpu.memory_space<hbm>>
      %dma_start3A_21 = arith.constant 0 : i32
      %dma_start3A_22 = tpu.memref_slice %arg2[%mul3A_2, %dma_start3A_21] : memref<2560x128xi32, #tpu.memory_space<hbm>> -> memref<80x128xi32, #tpu.memory_space<hbm>>
      tpu.enqueue_dma source(%dma_start3A_22 : memref<80x128xi32, #tpu.memory_space<hbm>>) target(%arg6 : memref<80x128xi32, #tpu.memory_space<vmem>>) target_semaphore(%run_scoped3A : memref<!tpu.dma_semaphore, #tpu.memory_space<semaphore_mem>>)
      %dma_wait3A = arith.constant 0 : i32
      %dma_wait3A_23 = tpu.memref_slice %arg2[%mul3A_2, %dma_wait3A] : memref<2560x128xi32, #tpu.memory_space<hbm>> -> memref<80x128xi32, #tpu.memory_space<hbm>>
      %dma_wait3A_24 = arith.constant 0 : i32
      %dma_wait3A_25 = tpu.memref_slice %arg2[%mul3A_2, %dma_wait3A_24] : memref<2560x128xi32, #tpu.memory_space<hbm>> -> memref<80x128xi32, #tpu.memory_space<hbm>>
      tpu.wait_dma2 semaphore(%run_scoped3A : memref<!tpu.dma_semaphore, #tpu.memory_space<semaphore_mem>>) src(%dma_wait3A_25 : memref<80x128xi32, #tpu.memory_space<hbm>>) dst(%arg6 : memref<80x128xi32, #tpu.memory_space<vmem>>)
      tpu.yield
    }) : () -> ()
    %mul3A_3 = arith.constant 632 : i32
    %mul3A_4 = arith.muli %arg1, %mul3A_3 : i32
    %mul3A_5 = arith.constant 632 : i32
    %mul3A_6 = arith.muli %arg1, %mul3A_5 : i32
    "tpu.region"() ({
      %run_scoped3A = tpu.sem_alloc : memref<!tpu.dma_semaphore, #tpu.memory_space<semaphore_mem>>
      %dma_start3A = arith.constant 0 : i32
      %dma_start3A_20 = tpu.memref_slice %arg8[%mul3A_6, %dma_start3A] : memref<10112x16xf32, #tpu.memory_space<vmem_shared>> -> memref<632x16xf32, #tpu.memory_space<vmem_shared>>
      %dma_start3A_21 = arith.constant 0 : i32
      %dma_start3A_22 = tpu.memref_slice %arg3[%mul3A_4, %dma_start3A_21] : memref<10112x16xf32, #tpu.memory_space<hbm>> -> memref<632x16xf32, #tpu.memory_space<hbm>>
      tpu.enqueue_dma source(%dma_start3A_22 : memref<632x16xf32, #tpu.memory_space<hbm>>) target(%dma_start3A_20 : memref<632x16xf32, #tpu.memory_space<vmem_shared>>) target_semaphore(%run_scoped3A : memref<!tpu.dma_semaphore, #tpu.memory_space<semaphore_mem>>)
      %dma_wait3A = arith.constant 0 : i32
      %dma_wait3A_23 = tpu.memref_slice %arg8[%mul3A_6, %dma_wait3A] : memref<10112x16xf32, #tpu.memory_space<vmem_shared>> -> memref<632x16xf32, #tpu.memory_space<vmem_shared>>
      %dma_wait3A_24 = arith.constant 0 : i32
      %dma_wait3A_25 = tpu.memref_slice %arg3[%mul3A_4, %dma_wait3A_24] : memref<10112x16xf32, #tpu.memory_space<hbm>> -> memref<632x16xf32, #tpu.memory_space<hbm>>
      tpu.wait_dma2 semaphore(%run_scoped3A : memref<!tpu.dma_semaphore, #tpu.memory_space<semaphore_mem>>) src(%dma_wait3A_25 : memref<632x16xf32, #tpu.memory_space<hbm>>) dst(%dma_wait3A_23 : memref<632x16xf32, #tpu.memory_space<vmem_shared>>)
      tpu.yield
    }) : () -> ()
    %barrier3A = arith.constant 0 : index
    tpu.barrier barrier_id(%barrier3A)
    %scan3A = arith.constant 0 : i32
    %scan3A_7 = arith.constant 0 : i32
    %scan3A_8 = arith.constant 80 : i32
    %scan3A_9 = arith.addi %scan3A_7, %scan3A_8 : i32
    %scan3A_10 = arith.constant 1 : i32
    scf.for %scan3A_20 = %scan3A_7 to %scan3A_9 step %scan3A_10  : i32 {
      "tpu.region"() ({
        %run_scoped3A = tpu.sem_alloc : memref<!tpu.dma_semaphore, #tpu.memory_space<semaphore_mem>>
        %dma_start3A = arith.constant 0 : i32
        %dma_start3A_21 = tpu.memref_slice %arg6[%scan3A_20, %dma_start3A] : memref<80x128xi32, #tpu.memory_space<vmem>> -> memref<1x128xi32, #tpu.memory_space<vmem>>
        %dma_start3A_22 = tpu.memref_squeeze %dma_start3A_21 : memref<1x128xi32, #tpu.memory_space<vmem>> -> memref<128xi32, #tpu.memory_space<vmem>>
        %dma_start3A_23 = arith.constant 0 : i32
        %dma_start3A_24 = arith.constant 0 : i32
        %dma_start3A_25 = tpu.memref_slice %arg8[%dma_start3A_23, %dma_start3A_24] : memref<10112x16xf32, #tpu.memory_space<vmem_shared>> -> memref<10112x16xf32, #tpu.memory_space<vmem_shared>>
        tpu.enqueue_indirect_dma source(%arg7 : memref<128x16xf32, #tpu.memory_space<vmem>>) target(%dma_start3A_25 : memref<10112x16xf32, #tpu.memory_space<vmem_shared>>) offsets(%dma_start3A_22 : memref<128xi32, #tpu.memory_space<vmem>>) semaphore(%run_scoped3A : memref<!tpu.dma_semaphore, #tpu.memory_space<semaphore_mem>>) {add = true}
        %dma_wait3A = arith.constant 0 : i32
        %dma_wait3A_26 = tpu.memref_slice %arg6[%scan3A_20, %dma_wait3A] : memref<80x128xi32, #tpu.memory_space<vmem>> -> memref<1x128xi32, #tpu.memory_space<vmem>>
        %dma_wait3A_27 = tpu.memref_squeeze %dma_wait3A_26 : memref<1x128xi32, #tpu.memory_space<vmem>> -> memref<128xi32, #tpu.memory_space<vmem>>
        %dma_wait3A_28 = arith.constant 0 : i32
        %dma_wait3A_29 = arith.constant 0 : i32
        %dma_wait3A_30 = tpu.memref_slice %arg8[%dma_wait3A_28, %dma_wait3A_29] : memref<10112x16xf32, #tpu.memory_space<vmem_shared>> -> memref<10112x16xf32, #tpu.memory_space<vmem_shared>>
        tpu.wait_indirect_dma semaphore(%run_scoped3A : memref<!tpu.dma_semaphore, #tpu.memory_space<semaphore_mem>>) src(%arg7 : memref<128x16xf32, #tpu.memory_space<vmem>>) dst(%dma_wait3A_30 : memref<10112x16xf32, #tpu.memory_space<vmem_shared>>)
        tpu.yield
      }) : () -> ()
    }
    %scan3A_11 = arith.constant 80 : i32
    %barrier3A_12 = arith.constant 0 : index
    tpu.barrier barrier_id(%barrier3A_12)
    %mul3A_13 = arith.constant 632 : i32
    %mul3A_14 = arith.muli %arg1, %mul3A_13 : i32
    %mul3A_15 = arith.constant 10112 : i32
    %mul3A_16 = arith.muli %arg0, %mul3A_15 : i32
    %mul3A_17 = arith.constant 632 : i32
    %mul3A_18 = arith.muli %arg1, %mul3A_17 : i32
    %add3A_19 = arith.addi %mul3A_16, %mul3A_18 : i32
    "tpu.region"() ({
      %run_scoped3A = tpu.sem_alloc : memref<!tpu.dma_semaphore, #tpu.memory_space<semaphore_mem>>
      %dma_start3A = arith.constant 0 : i32
      %dma_start3A_20 = tpu.memref_slice %arg5[%add3A_19, %dma_start3A] : memref<20224x16xf32, #tpu.memory_space<hbm>> -> memref<632x16xf32, #tpu.memory_space<hbm>>
      %dma_start3A_21 = arith.constant 0 : i32
      %dma_start3A_22 = tpu.memref_slice %arg8[%mul3A_14, %dma_start3A_21] : memref<10112x16xf32, #tpu.memory_space<vmem_shared>> -> memref<632x16xf32, #tpu.memory_space<vmem_shared>>
      tpu.enqueue_dma source(%dma_start3A_22 : memref<632x16xf32, #tpu.memory_space<vmem_shared>>) target(%dma_start3A_20 : memref<632x16xf32, #tpu.memory_space<hbm>>) target_semaphore(%run_scoped3A : memref<!tpu.dma_semaphore, #tpu.memory_space<semaphore_mem>>)
      %dma_wait3A = arith.constant 0 : i32
      %dma_wait3A_23 = tpu.memref_slice %arg5[%add3A_19, %dma_wait3A] : memref<20224x16xf32, #tpu.memory_space<hbm>> -> memref<632x16xf32, #tpu.memory_space<hbm>>
      %dma_wait3A_24 = arith.constant 0 : i32
      %dma_wait3A_25 = tpu.memref_slice %arg8[%mul3A_14, %dma_wait3A_24] : memref<10112x16xf32, #tpu.memory_space<vmem_shared>> -> memref<632x16xf32, #tpu.memory_space<vmem_shared>>
      tpu.wait_dma2 semaphore(%run_scoped3A : memref<!tpu.dma_semaphore, #tpu.memory_space<semaphore_mem>>) src(%dma_wait3A_25 : memref<632x16xf32, #tpu.memory_space<vmem_shared>>) dst(%dma_wait3A_23 : memref<632x16xf32, #tpu.memory_space<hbm>>)
      tpu.yield
    }) : () -> ()
    return
  }
}

#map = affine_map<(d0, d1) -> (0, 0)>
module attributes {stable_mosaic.version = 14 : i64} {
  func.func @msg_kernel(%arg0: i32, %arg1: i32, %arg2: memref<10112x64xf32, #tpu.memory_space<hbm>>, %arg3: memref<10112x64xf32, #tpu.memory_space<hbm>>, %arg4: memref<2560x128xi32, #tpu.memory_space<hbm>>, %arg5: memref<2560x128xi32, #tpu.memory_space<hbm>>, %arg6: memref<10112x64xf32, #tpu.memory_space<hbm>>, %arg7: memref<20224x64xf32, #tpu.memory_space<hbm>>, %arg8: memref<20224x64xf32, #tpu.memory_space<hbm>>, %arg9: memref<80x128xi32, #tpu.memory_space<vmem>>, %arg10: memref<80x128xi32, #tpu.memory_space<vmem>>, %arg11: memref<128x64xf32, #tpu.memory_space<vmem>>, %arg12: memref<128x64xf32, #tpu.memory_space<vmem>>, %arg13: memref<10112x64xf32, #tpu.memory_space<vmem_shared>>, %arg14: memref<10112x64xf32, #tpu.memory_space<vmem_shared>>, %arg15: memref<!tpu.dma_semaphore, #tpu.memory_space<semaphore_mem>>, %arg16: memref<!tpu.dma_semaphore, #tpu.memory_space<semaphore_mem>>) attributes {dimension_semantics = [#tpu.dimension_semantics<core_parallel>, #tpu.dimension_semantics<subcore_parallel>], iteration_bounds = array<i64: 2, 16>, scalar_prefetch = 0 : i64, scratch_operands = 8 : i64, tpu.core_type = #tpu.core_type<sc_vector_subcore>, window_params = [{transform_indices = #map}, {transform_indices = #map}, {transform_indices = #map}, {transform_indices = #map}, {transform_indices = #map}, {transform_indices = #map}, {transform_indices = #map}]} {
    %mul3A = arith.constant 16 : i32
    %mul3A_0 = arith.muli %arg0, %mul3A : i32
    %add3A = arith.addi %mul3A_0, %arg1 : i32
    %mul3A_1 = arith.constant 80 : i32
    %mul3A_2 = arith.muli %add3A, %mul3A_1 : i32
    "tpu.region"() ({
      %run_scoped3A = tpu.sem_alloc : memref<!tpu.dma_semaphore, #tpu.memory_space<semaphore_mem>>
      %dma_start3A_97 = arith.constant 0 : i32
      %dma_start3A_98 = tpu.memref_slice %arg4[%mul3A_2, %dma_start3A_97] : memref<2560x128xi32, #tpu.memory_space<hbm>> -> memref<80x128xi32, #tpu.memory_space<hbm>>
      %dma_start3A_99 = arith.constant 0 : i32
      %dma_start3A_100 = tpu.memref_slice %arg4[%mul3A_2, %dma_start3A_99] : memref<2560x128xi32, #tpu.memory_space<hbm>> -> memref<80x128xi32, #tpu.memory_space<hbm>>
      tpu.enqueue_dma source(%dma_start3A_100 : memref<80x128xi32, #tpu.memory_space<hbm>>) target(%arg9 : memref<80x128xi32, #tpu.memory_space<vmem>>) target_semaphore(%run_scoped3A : memref<!tpu.dma_semaphore, #tpu.memory_space<semaphore_mem>>)
      %dma_wait3A_101 = arith.constant 0 : i32
      %dma_wait3A_102 = tpu.memref_slice %arg4[%mul3A_2, %dma_wait3A_101] : memref<2560x128xi32, #tpu.memory_space<hbm>> -> memref<80x128xi32, #tpu.memory_space<hbm>>
      %dma_wait3A_103 = arith.constant 0 : i32
      %dma_wait3A_104 = tpu.memref_slice %arg4[%mul3A_2, %dma_wait3A_103] : memref<2560x128xi32, #tpu.memory_space<hbm>> -> memref<80x128xi32, #tpu.memory_space<hbm>>
      tpu.wait_dma2 semaphore(%run_scoped3A : memref<!tpu.dma_semaphore, #tpu.memory_space<semaphore_mem>>) src(%dma_wait3A_104 : memref<80x128xi32, #tpu.memory_space<hbm>>) dst(%arg9 : memref<80x128xi32, #tpu.memory_space<vmem>>)
      tpu.yield
    }) : () -> ()
    "tpu.region"() ({
      %run_scoped3A = tpu.sem_alloc : memref<!tpu.dma_semaphore, #tpu.memory_space<semaphore_mem>>
      %dma_start3A_97 = arith.constant 0 : i32
      %dma_start3A_98 = tpu.memref_slice %arg5[%mul3A_2, %dma_start3A_97] : memref<2560x128xi32, #tpu.memory_space<hbm>> -> memref<80x128xi32, #tpu.memory_space<hbm>>
      %dma_start3A_99 = arith.constant 0 : i32
      %dma_start3A_100 = tpu.memref_slice %arg5[%mul3A_2, %dma_start3A_99] : memref<2560x128xi32, #tpu.memory_space<hbm>> -> memref<80x128xi32, #tpu.memory_space<hbm>>
      tpu.enqueue_dma source(%dma_start3A_100 : memref<80x128xi32, #tpu.memory_space<hbm>>) target(%arg10 : memref<80x128xi32, #tpu.memory_space<vmem>>) target_semaphore(%run_scoped3A : memref<!tpu.dma_semaphore, #tpu.memory_space<semaphore_mem>>)
      %dma_wait3A_101 = arith.constant 0 : i32
      %dma_wait3A_102 = tpu.memref_slice %arg5[%mul3A_2, %dma_wait3A_101] : memref<2560x128xi32, #tpu.memory_space<hbm>> -> memref<80x128xi32, #tpu.memory_space<hbm>>
      %dma_wait3A_103 = arith.constant 0 : i32
      %dma_wait3A_104 = tpu.memref_slice %arg5[%mul3A_2, %dma_wait3A_103] : memref<2560x128xi32, #tpu.memory_space<hbm>> -> memref<80x128xi32, #tpu.memory_space<hbm>>
      tpu.wait_dma2 semaphore(%run_scoped3A : memref<!tpu.dma_semaphore, #tpu.memory_space<semaphore_mem>>) src(%dma_wait3A_104 : memref<80x128xi32, #tpu.memory_space<hbm>>) dst(%arg10 : memref<80x128xi32, #tpu.memory_space<vmem>>)
      tpu.yield
    }) : () -> ()
    %mul3A_3 = arith.constant 632 : i32
    %mul3A_4 = arith.muli %arg1, %mul3A_3 : i32
    %mul3A_5 = arith.constant 632 : i32
    %mul3A_6 = arith.muli %arg1, %mul3A_5 : i32
    "tpu.region"() ({
      %run_scoped3A = tpu.sem_alloc : memref<!tpu.dma_semaphore, #tpu.memory_space<semaphore_mem>>
      %dma_start3A_97 = arith.constant 0 : i32
      %dma_start3A_98 = tpu.memref_slice %arg13[%mul3A_6, %dma_start3A_97] : memref<10112x64xf32, #tpu.memory_space<vmem_shared>> -> memref<632x64xf32, #tpu.memory_space<vmem_shared>>
      %dma_start3A_99 = arith.constant 0 : i32
      %dma_start3A_100 = tpu.memref_slice %arg2[%mul3A_4, %dma_start3A_99] : memref<10112x64xf32, #tpu.memory_space<hbm>> -> memref<632x64xf32, #tpu.memory_space<hbm>>
      tpu.enqueue_dma source(%dma_start3A_100 : memref<632x64xf32, #tpu.memory_space<hbm>>) target(%dma_start3A_98 : memref<632x64xf32, #tpu.memory_space<vmem_shared>>) target_semaphore(%run_scoped3A : memref<!tpu.dma_semaphore, #tpu.memory_space<semaphore_mem>>)
      %dma_wait3A_101 = arith.constant 0 : i32
      %dma_wait3A_102 = tpu.memref_slice %arg13[%mul3A_6, %dma_wait3A_101] : memref<10112x64xf32, #tpu.memory_space<vmem_shared>> -> memref<632x64xf32, #tpu.memory_space<vmem_shared>>
      %dma_wait3A_103 = arith.constant 0 : i32
      %dma_wait3A_104 = tpu.memref_slice %arg2[%mul3A_4, %dma_wait3A_103] : memref<10112x64xf32, #tpu.memory_space<hbm>> -> memref<632x64xf32, #tpu.memory_space<hbm>>
      tpu.wait_dma2 semaphore(%run_scoped3A : memref<!tpu.dma_semaphore, #tpu.memory_space<semaphore_mem>>) src(%dma_wait3A_104 : memref<632x64xf32, #tpu.memory_space<hbm>>) dst(%dma_wait3A_102 : memref<632x64xf32, #tpu.memory_space<vmem_shared>>)
      tpu.yield
    }) : () -> ()
    %mul3A_7 = arith.constant 632 : i32
    %mul3A_8 = arith.muli %arg1, %mul3A_7 : i32
    %mul3A_9 = arith.constant 632 : i32
    %mul3A_10 = arith.muli %arg1, %mul3A_9 : i32
    "tpu.region"() ({
      %run_scoped3A = tpu.sem_alloc : memref<!tpu.dma_semaphore, #tpu.memory_space<semaphore_mem>>
      %dma_start3A_97 = arith.constant 0 : i32
      %dma_start3A_98 = tpu.memref_slice %arg14[%mul3A_10, %dma_start3A_97] : memref<10112x64xf32, #tpu.memory_space<vmem_shared>> -> memref<632x64xf32, #tpu.memory_space<vmem_shared>>
      %dma_start3A_99 = arith.constant 0 : i32
      %dma_start3A_100 = tpu.memref_slice %arg6[%mul3A_8, %dma_start3A_99] : memref<10112x64xf32, #tpu.memory_space<hbm>> -> memref<632x64xf32, #tpu.memory_space<hbm>>
      tpu.enqueue_dma source(%dma_start3A_100 : memref<632x64xf32, #tpu.memory_space<hbm>>) target(%dma_start3A_98 : memref<632x64xf32, #tpu.memory_space<vmem_shared>>) target_semaphore(%run_scoped3A : memref<!tpu.dma_semaphore, #tpu.memory_space<semaphore_mem>>)
      %dma_wait3A_101 = arith.constant 0 : i32
      %dma_wait3A_102 = tpu.memref_slice %arg14[%mul3A_10, %dma_wait3A_101] : memref<10112x64xf32, #tpu.memory_space<vmem_shared>> -> memref<632x64xf32, #tpu.memory_space<vmem_shared>>
      %dma_wait3A_103 = arith.constant 0 : i32
      %dma_wait3A_104 = tpu.memref_slice %arg6[%mul3A_8, %dma_wait3A_103] : memref<10112x64xf32, #tpu.memory_space<hbm>> -> memref<632x64xf32, #tpu.memory_space<hbm>>
      tpu.wait_dma2 semaphore(%run_scoped3A : memref<!tpu.dma_semaphore, #tpu.memory_space<semaphore_mem>>) src(%dma_wait3A_104 : memref<632x64xf32, #tpu.memory_space<hbm>>) dst(%dma_wait3A_102 : memref<632x64xf32, #tpu.memory_space<vmem_shared>>)
      tpu.yield
    }) : () -> ()
    %barrier3A = arith.constant 0 : index
    tpu.barrier barrier_id(%barrier3A)
    %dma_start3A = arith.constant 0 : i32
    %dma_start3A_11 = arith.constant 0 : i32
    %dma_start3A_12 = tpu.memref_slice %arg9[%dma_start3A, %dma_start3A_11] : memref<80x128xi32, #tpu.memory_space<vmem>> -> memref<1x128xi32, #tpu.memory_space<vmem>>
    %dma_start3A_13 = tpu.memref_squeeze %dma_start3A_12 : memref<1x128xi32, #tpu.memory_space<vmem>> -> memref<128xi32, #tpu.memory_space<vmem>>
    %dma_start3A_14 = arith.constant 0 : i32
    %dma_start3A_15 = arith.constant 0 : i32
    %dma_start3A_16 = tpu.memref_slice %arg13[%dma_start3A_14, %dma_start3A_15] : memref<10112x64xf32, #tpu.memory_space<vmem_shared>> -> memref<10112x64xf32, #tpu.memory_space<vmem_shared>>
    tpu.enqueue_indirect_dma source(%dma_start3A_16 : memref<10112x64xf32, #tpu.memory_space<vmem_shared>>) target(%arg11 : memref<128x64xf32, #tpu.memory_space<vmem>>) offsets(%dma_start3A_13 : memref<128xi32, #tpu.memory_space<vmem>>) semaphore(%arg15 : memref<!tpu.dma_semaphore, #tpu.memory_space<semaphore_mem>>)
    %dma_start3A_17 = arith.constant 1 : i32
    %dma_start3A_18 = arith.constant 0 : i32
    %dma_start3A_19 = tpu.memref_slice %arg9[%dma_start3A_17, %dma_start3A_18] : memref<80x128xi32, #tpu.memory_space<vmem>> -> memref<1x128xi32, #tpu.memory_space<vmem>>
    %dma_start3A_20 = tpu.memref_squeeze %dma_start3A_19 : memref<1x128xi32, #tpu.memory_space<vmem>> -> memref<128xi32, #tpu.memory_space<vmem>>
    %dma_start3A_21 = arith.constant 0 : i32
    %dma_start3A_22 = arith.constant 0 : i32
    %dma_start3A_23 = tpu.memref_slice %arg13[%dma_start3A_21, %dma_start3A_22] : memref<10112x64xf32, #tpu.memory_space<vmem_shared>> -> memref<10112x64xf32, #tpu.memory_space<vmem_shared>>
    tpu.enqueue_indirect_dma source(%dma_start3A_23 : memref<10112x64xf32, #tpu.memory_space<vmem_shared>>) target(%arg12 : memref<128x64xf32, #tpu.memory_space<vmem>>) offsets(%dma_start3A_20 : memref<128xi32, #tpu.memory_space<vmem>>) semaphore(%arg16 : memref<!tpu.dma_semaphore, #tpu.memory_space<semaphore_mem>>)
    %scan3A = arith.constant 0 : i32
    %scan3A_24 = arith.constant 0 : i32
    %scan3A_25 = arith.constant 40 : i32
    %scan3A_26 = arith.addi %scan3A_24, %scan3A_25 : i32
    %scan3A_27 = arith.constant 1 : i32
    scf.for %scan3A_97 = %scan3A_24 to %scan3A_26 step %scan3A_27  : i32 {
      %mul3A_98 = arith.constant 2 : i32
      %mul3A_99 = arith.muli %scan3A_97, %mul3A_98 : i32
      %add3A_100 = arith.constant 0 : i32
      %add3A_101 = arith.addi %mul3A_99, %add3A_100 : i32
      %dma_wait3A_102 = arith.constant 0 : i32
      %dma_wait3A_103 = arith.constant 0 : i32
      %dma_wait3A_104 = tpu.memref_slice %arg13[%dma_wait3A_102, %dma_wait3A_103] : memref<10112x64xf32, #tpu.memory_space<vmem_shared>> -> memref<128x64xf32, #tpu.memory_space<vmem_shared>>
      %dma_wait3A_105 = arith.constant 0 : i32
      %dma_wait3A_106 = arith.constant 0 : i32
      %dma_wait3A_107 = tpu.memref_slice %arg13[%dma_wait3A_105, %dma_wait3A_106] : memref<10112x64xf32, #tpu.memory_space<vmem_shared>> -> memref<128x64xf32, #tpu.memory_space<vmem_shared>>
      tpu.wait_dma2 semaphore(%arg15 : memref<!tpu.dma_semaphore, #tpu.memory_space<semaphore_mem>>) src(%dma_wait3A_107 : memref<128x64xf32, #tpu.memory_space<vmem_shared>>) dst(%arg11 : memref<128x64xf32, #tpu.memory_space<vmem>>)
      "tpu.region"() ({
        %run_scoped3A = tpu.sem_alloc : memref<!tpu.dma_semaphore, #tpu.memory_space<semaphore_mem>>
        %dma_start3A_137 = arith.constant 0 : i32
        %dma_start3A_138 = tpu.memref_slice %arg10[%add3A_101, %dma_start3A_137] : memref<80x128xi32, #tpu.memory_space<vmem>> -> memref<1x128xi32, #tpu.memory_space<vmem>>
        %dma_start3A_139 = tpu.memref_squeeze %dma_start3A_138 : memref<1x128xi32, #tpu.memory_space<vmem>> -> memref<128xi32, #tpu.memory_space<vmem>>
        %dma_start3A_140 = arith.constant 0 : i32
        %dma_start3A_141 = arith.constant 0 : i32
        %dma_start3A_142 = tpu.memref_slice %arg14[%dma_start3A_140, %dma_start3A_141] : memref<10112x64xf32, #tpu.memory_space<vmem_shared>> -> memref<10112x64xf32, #tpu.memory_space<vmem_shared>>
        tpu.enqueue_indirect_dma source(%arg11 : memref<128x64xf32, #tpu.memory_space<vmem>>) target(%dma_start3A_142 : memref<10112x64xf32, #tpu.memory_space<vmem_shared>>) offsets(%dma_start3A_139 : memref<128xi32, #tpu.memory_space<vmem>>) semaphore(%run_scoped3A : memref<!tpu.dma_semaphore, #tpu.memory_space<semaphore_mem>>) {add = true}
        %dma_wait3A_143 = arith.constant 0 : i32
        %dma_wait3A_144 = tpu.memref_slice %arg10[%add3A_101, %dma_wait3A_143] : memref<80x128xi32, #tpu.memory_space<vmem>> -> memref<1x128xi32, #tpu.memory_space<vmem>>
        %dma_wait3A_145 = tpu.memref_squeeze %dma_wait3A_144 : memref<1x128xi32, #tpu.memory_space<vmem>> -> memref<128xi32, #tpu.memory_space<vmem>>
        %dma_wait3A_146 = arith.constant 0 : i32
        %dma_wait3A_147 = arith.constant 0 : i32
        %dma_wait3A_148 = tpu.memref_slice %arg14[%dma_wait3A_146, %dma_wait3A_147] : memref<10112x64xf32, #tpu.memory_space<vmem_shared>> -> memref<10112x64xf32, #tpu.memory_space<vmem_shared>>
        tpu.wait_indirect_dma semaphore(%run_scoped3A : memref<!tpu.dma_semaphore, #tpu.memory_space<semaphore_mem>>) src(%arg11 : memref<128x64xf32, #tpu.memory_space<vmem>>) dst(%dma_wait3A_148 : memref<10112x64xf32, #tpu.memory_space<vmem_shared>>)
        tpu.yield
      }) : () -> ()
      %add3A_108 = arith.constant 2 : i32
      %add3A_109 = arith.addi %add3A_101, %add3A_108 : i32
      %min3A = arith.constant 79 : i32
      %min3A_110 = arith.minsi %add3A_109, %min3A : i32
      %dma_start3A_111 = arith.constant 0 : i32
      %dma_start3A_112 = tpu.memref_slice %arg9[%min3A_110, %dma_start3A_111] : memref<80x128xi32, #tpu.memory_space<vmem>> -> memref<1x128xi32, #tpu.memory_space<vmem>>
      %dma_start3A_113 = tpu.memref_squeeze %dma_start3A_112 : memref<1x128xi32, #tpu.memory_space<vmem>> -> memref<128xi32, #tpu.memory_space<vmem>>
      %dma_start3A_114 = arith.constant 0 : i32
      %dma_start3A_115 = arith.constant 0 : i32
      %dma_start3A_116 = tpu.memref_slice %arg13[%dma_start3A_114, %dma_start3A_115] : memref<10112x64xf32, #tpu.memory_space<vmem_shared>> -> memref<10112x64xf32, #tpu.memory_space<vmem_shared>>
      tpu.enqueue_indirect_dma source(%dma_start3A_116 : memref<10112x64xf32, #tpu.memory_space<vmem_shared>>) target(%arg11 : memref<128x64xf32, #tpu.memory_space<vmem>>) offsets(%dma_start3A_113 : memref<128xi32, #tpu.memory_space<vmem>>) semaphore(%arg15 : memref<!tpu.dma_semaphore, #tpu.memory_space<semaphore_mem>>)
      %mul3A_117 = arith.constant 2 : i32
      %mul3A_118 = arith.muli %scan3A_97, %mul3A_117 : i32
      %add3A_119 = arith.constant 1 : i32
      %add3A_120 = arith.addi %mul3A_118, %add3A_119 : i32
      %dma_wait3A_121 = arith.constant 0 : i32
      %dma_wait3A_122 = arith.constant 0 : i32
      %dma_wait3A_123 = tpu.memref_slice %arg13[%dma_wait3A_121, %dma_wait3A_122] : memref<10112x64xf32, #tpu.memory_space<vmem_shared>> -> memref<128x64xf32, #tpu.memory_space<vmem_shared>>
      %dma_wait3A_124 = arith.constant 0 : i32
      %dma_wait3A_125 = arith.constant 0 : i32
      %dma_wait3A_126 = tpu.memref_slice %arg13[%dma_wait3A_124, %dma_wait3A_125] : memref<10112x64xf32, #tpu.memory_space<vmem_shared>> -> memref<128x64xf32, #tpu.memory_space<vmem_shared>>
      tpu.wait_dma2 semaphore(%arg16 : memref<!tpu.dma_semaphore, #tpu.memory_space<semaphore_mem>>) src(%dma_wait3A_126 : memref<128x64xf32, #tpu.memory_space<vmem_shared>>) dst(%arg12 : memref<128x64xf32, #tpu.memory_space<vmem>>)
      "tpu.region"() ({
        %run_scoped3A = tpu.sem_alloc : memref<!tpu.dma_semaphore, #tpu.memory_space<semaphore_mem>>
        %dma_start3A_137 = arith.constant 0 : i32
        %dma_start3A_138 = tpu.memref_slice %arg10[%add3A_120, %dma_start3A_137] : memref<80x128xi32, #tpu.memory_space<vmem>> -> memref<1x128xi32, #tpu.memory_space<vmem>>
        %dma_start3A_139 = tpu.memref_squeeze %dma_start3A_138 : memref<1x128xi32, #tpu.memory_space<vmem>> -> memref<128xi32, #tpu.memory_space<vmem>>
        %dma_start3A_140 = arith.constant 0 : i32
        %dma_start3A_141 = arith.constant 0 : i32
        %dma_start3A_142 = tpu.memref_slice %arg14[%dma_start3A_140, %dma_start3A_141] : memref<10112x64xf32, #tpu.memory_space<vmem_shared>> -> memref<10112x64xf32, #tpu.memory_space<vmem_shared>>
        tpu.enqueue_indirect_dma source(%arg12 : memref<128x64xf32, #tpu.memory_space<vmem>>) target(%dma_start3A_142 : memref<10112x64xf32, #tpu.memory_space<vmem_shared>>) offsets(%dma_start3A_139 : memref<128xi32, #tpu.memory_space<vmem>>) semaphore(%run_scoped3A : memref<!tpu.dma_semaphore, #tpu.memory_space<semaphore_mem>>) {add = true}
        %dma_wait3A_143 = arith.constant 0 : i32
        %dma_wait3A_144 = tpu.memref_slice %arg10[%add3A_120, %dma_wait3A_143] : memref<80x128xi32, #tpu.memory_space<vmem>> -> memref<1x128xi32, #tpu.memory_space<vmem>>
        %dma_wait3A_145 = tpu.memref_squeeze %dma_wait3A_144 : memref<1x128xi32, #tpu.memory_space<vmem>> -> memref<128xi32, #tpu.memory_space<vmem>>
        %dma_wait3A_146 = arith.constant 0 : i32
        %dma_wait3A_147 = arith.constant 0 : i32
        %dma_wait3A_148 = tpu.memref_slice %arg14[%dma_wait3A_146, %dma_wait3A_147] : memref<10112x64xf32, #tpu.memory_space<vmem_shared>> -> memref<10112x64xf32, #tpu.memory_space<vmem_shared>>
        tpu.wait_indirect_dma semaphore(%run_scoped3A : memref<!tpu.dma_semaphore, #tpu.memory_space<semaphore_mem>>) src(%arg12 : memref<128x64xf32, #tpu.memory_space<vmem>>) dst(%dma_wait3A_148 : memref<10112x64xf32, #tpu.memory_space<vmem_shared>>)
        tpu.yield
      }) : () -> ()
      %add3A_127 = arith.constant 2 : i32
      %add3A_128 = arith.addi %add3A_120, %add3A_127 : i32
      %min3A_129 = arith.constant 79 : i32
      %min3A_130 = arith.minsi %add3A_128, %min3A_129 : i32
      %dma_start3A_131 = arith.constant 0 : i32
      %dma_start3A_132 = tpu.memref_slice %arg9[%min3A_130, %dma_start3A_131] : memref<80x128xi32, #tpu.memory_space<vmem>> -> memref<1x128xi32, #tpu.memory_space<vmem>>
      %dma_start3A_133 = tpu.memref_squeeze %dma_start3A_132 : memref<1x128xi32, #tpu.memory_space<vmem>> -> memref<128xi32, #tpu.memory_space<vmem>>
      %dma_start3A_134 = arith.constant 0 : i32
      %dma_start3A_135 = arith.constant 0 : i32
      %dma_start3A_136 = tpu.memref_slice %arg13[%dma_start3A_134, %dma_start3A_135] : memref<10112x64xf32, #tpu.memory_space<vmem_shared>> -> memref<10112x64xf32, #tpu.memory_space<vmem_shared>>
      tpu.enqueue_indirect_dma source(%dma_start3A_136 : memref<10112x64xf32, #tpu.memory_space<vmem_shared>>) target(%arg12 : memref<128x64xf32, #tpu.memory_space<vmem>>) offsets(%dma_start3A_133 : memref<128xi32, #tpu.memory_space<vmem>>) semaphore(%arg16 : memref<!tpu.dma_semaphore, #tpu.memory_space<semaphore_mem>>)
    }
    %scan3A_28 = arith.constant 40 : i32
    %dma_wait3A = arith.constant 0 : i32
    %dma_wait3A_29 = arith.constant 0 : i32
    %dma_wait3A_30 = tpu.memref_slice %arg13[%dma_wait3A, %dma_wait3A_29] : memref<10112x64xf32, #tpu.memory_space<vmem_shared>> -> memref<128x64xf32, #tpu.memory_space<vmem_shared>>
    %dma_wait3A_31 = arith.constant 0 : i32
    %dma_wait3A_32 = arith.constant 0 : i32
    %dma_wait3A_33 = tpu.memref_slice %arg13[%dma_wait3A_31, %dma_wait3A_32] : memref<10112x64xf32, #tpu.memory_space<vmem_shared>> -> memref<128x64xf32, #tpu.memory_space<vmem_shared>>
    tpu.wait_dma2 semaphore(%arg15 : memref<!tpu.dma_semaphore, #tpu.memory_space<semaphore_mem>>) src(%dma_wait3A_33 : memref<128x64xf32, #tpu.memory_space<vmem_shared>>) dst(%arg11 : memref<128x64xf32, #tpu.memory_space<vmem>>)
    %dma_wait3A_34 = arith.constant 0 : i32
    %dma_wait3A_35 = arith.constant 0 : i32
    %dma_wait3A_36 = tpu.memref_slice %arg13[%dma_wait3A_34, %dma_wait3A_35] : memref<10112x64xf32, #tpu.memory_space<vmem_shared>> -> memref<128x64xf32, #tpu.memory_space<vmem_shared>>
    %dma_wait3A_37 = arith.constant 0 : i32
    %dma_wait3A_38 = arith.constant 0 : i32
    %dma_wait3A_39 = tpu.memref_slice %arg13[%dma_wait3A_37, %dma_wait3A_38] : memref<10112x64xf32, #tpu.memory_space<vmem_shared>> -> memref<128x64xf32, #tpu.memory_space<vmem_shared>>
    tpu.wait_dma2 semaphore(%arg16 : memref<!tpu.dma_semaphore, #tpu.memory_space<semaphore_mem>>) src(%dma_wait3A_39 : memref<128x64xf32, #tpu.memory_space<vmem_shared>>) dst(%arg12 : memref<128x64xf32, #tpu.memory_space<vmem>>)
    %barrier3A_40 = arith.constant 0 : index
    tpu.barrier barrier_id(%barrier3A_40)
    %mul3A_41 = arith.constant 632 : i32
    %mul3A_42 = arith.muli %arg1, %mul3A_41 : i32
    %mul3A_43 = arith.constant 10112 : i32
    %mul3A_44 = arith.muli %arg0, %mul3A_43 : i32
    %mul3A_45 = arith.constant 632 : i32
    %mul3A_46 = arith.muli %arg1, %mul3A_45 : i32
    %add3A_47 = arith.addi %mul3A_44, %mul3A_46 : i32
    "tpu.region"() ({
      %run_scoped3A = tpu.sem_alloc : memref<!tpu.dma_semaphore, #tpu.memory_space<semaphore_mem>>
      %dma_start3A_97 = arith.constant 0 : i32
      %dma_start3A_98 = tpu.memref_slice %arg7[%add3A_47, %dma_start3A_97] : memref<20224x64xf32, #tpu.memory_space<hbm>> -> memref<632x64xf32, #tpu.memory_space<hbm>>
      %dma_start3A_99 = arith.constant 0 : i32
      %dma_start3A_100 = tpu.memref_slice %arg14[%mul3A_42, %dma_start3A_99] : memref<10112x64xf32, #tpu.memory_space<vmem_shared>> -> memref<632x64xf32, #tpu.memory_space<vmem_shared>>
      tpu.enqueue_dma source(%dma_start3A_100 : memref<632x64xf32, #tpu.memory_space<vmem_shared>>) target(%dma_start3A_98 : memref<632x64xf32, #tpu.memory_space<hbm>>) target_semaphore(%run_scoped3A : memref<!tpu.dma_semaphore, #tpu.memory_space<semaphore_mem>>)
      %dma_wait3A_101 = arith.constant 0 : i32
      %dma_wait3A_102 = tpu.memref_slice %arg7[%add3A_47, %dma_wait3A_101] : memref<20224x64xf32, #tpu.memory_space<hbm>> -> memref<632x64xf32, #tpu.memory_space<hbm>>
      %dma_wait3A_103 = arith.constant 0 : i32
      %dma_wait3A_104 = tpu.memref_slice %arg14[%mul3A_42, %dma_wait3A_103] : memref<10112x64xf32, #tpu.memory_space<vmem_shared>> -> memref<632x64xf32, #tpu.memory_space<vmem_shared>>
      tpu.wait_dma2 semaphore(%run_scoped3A : memref<!tpu.dma_semaphore, #tpu.memory_space<semaphore_mem>>) src(%dma_wait3A_104 : memref<632x64xf32, #tpu.memory_space<vmem_shared>>) dst(%dma_wait3A_102 : memref<632x64xf32, #tpu.memory_space<hbm>>)
      tpu.yield
    }) : () -> ()
    %mul3A_48 = arith.constant 632 : i32
    %mul3A_49 = arith.muli %arg1, %mul3A_48 : i32
    %mul3A_50 = arith.constant 632 : i32
    %mul3A_51 = arith.muli %arg1, %mul3A_50 : i32
    "tpu.region"() ({
      %run_scoped3A = tpu.sem_alloc : memref<!tpu.dma_semaphore, #tpu.memory_space<semaphore_mem>>
      %dma_start3A_97 = arith.constant 0 : i32
      %dma_start3A_98 = tpu.memref_slice %arg13[%mul3A_51, %dma_start3A_97] : memref<10112x64xf32, #tpu.memory_space<vmem_shared>> -> memref<632x64xf32, #tpu.memory_space<vmem_shared>>
      %dma_start3A_99 = arith.constant 0 : i32
      %dma_start3A_100 = tpu.memref_slice %arg3[%mul3A_49, %dma_start3A_99] : memref<10112x64xf32, #tpu.memory_space<hbm>> -> memref<632x64xf32, #tpu.memory_space<hbm>>
      tpu.enqueue_dma source(%dma_start3A_100 : memref<632x64xf32, #tpu.memory_space<hbm>>) target(%dma_start3A_98 : memref<632x64xf32, #tpu.memory_space<vmem_shared>>) target_semaphore(%run_scoped3A : memref<!tpu.dma_semaphore, #tpu.memory_space<semaphore_mem>>)
      %dma_wait3A_101 = arith.constant 0 : i32
      %dma_wait3A_102 = tpu.memref_slice %arg13[%mul3A_51, %dma_wait3A_101] : memref<10112x64xf32, #tpu.memory_space<vmem_shared>> -> memref<632x64xf32, #tpu.memory_space<vmem_shared>>
      %dma_wait3A_103 = arith.constant 0 : i32
      %dma_wait3A_104 = tpu.memref_slice %arg3[%mul3A_49, %dma_wait3A_103] : memref<10112x64xf32, #tpu.memory_space<hbm>> -> memref<632x64xf32, #tpu.memory_space<hbm>>
      tpu.wait_dma2 semaphore(%run_scoped3A : memref<!tpu.dma_semaphore, #tpu.memory_space<semaphore_mem>>) src(%dma_wait3A_104 : memref<632x64xf32, #tpu.memory_space<hbm>>) dst(%dma_wait3A_102 : memref<632x64xf32, #tpu.memory_space<vmem_shared>>)
      tpu.yield
    }) : () -> ()
    %mul3A_52 = arith.constant 632 : i32
    %mul3A_53 = arith.muli %arg1, %mul3A_52 : i32
    %mul3A_54 = arith.constant 632 : i32
    %mul3A_55 = arith.muli %arg1, %mul3A_54 : i32
    "tpu.region"() ({
      %run_scoped3A = tpu.sem_alloc : memref<!tpu.dma_semaphore, #tpu.memory_space<semaphore_mem>>
      %dma_start3A_97 = arith.constant 0 : i32
      %dma_start3A_98 = tpu.memref_slice %arg14[%mul3A_55, %dma_start3A_97] : memref<10112x64xf32, #tpu.memory_space<vmem_shared>> -> memref<632x64xf32, #tpu.memory_space<vmem_shared>>
      %dma_start3A_99 = arith.constant 0 : i32
      %dma_start3A_100 = tpu.memref_slice %arg6[%mul3A_53, %dma_start3A_99] : memref<10112x64xf32, #tpu.memory_space<hbm>> -> memref<632x64xf32, #tpu.memory_space<hbm>>
      tpu.enqueue_dma source(%dma_start3A_100 : memref<632x64xf32, #tpu.memory_space<hbm>>) target(%dma_start3A_98 : memref<632x64xf32, #tpu.memory_space<vmem_shared>>) target_semaphore(%run_scoped3A : memref<!tpu.dma_semaphore, #tpu.memory_space<semaphore_mem>>)
      %dma_wait3A_101 = arith.constant 0 : i32
      %dma_wait3A_102 = tpu.memref_slice %arg14[%mul3A_55, %dma_wait3A_101] : memref<10112x64xf32, #tpu.memory_space<vmem_shared>> -> memref<632x64xf32, #tpu.memory_space<vmem_shared>>
      %dma_wait3A_103 = arith.constant 0 : i32
      %dma_wait3A_104 = tpu.memref_slice %arg6[%mul3A_53, %dma_wait3A_103] : memref<10112x64xf32, #tpu.memory_space<hbm>> -> memref<632x64xf32, #tpu.memory_space<hbm>>
      tpu.wait_dma2 semaphore(%run_scoped3A : memref<!tpu.dma_semaphore, #tpu.memory_space<semaphore_mem>>) src(%dma_wait3A_104 : memref<632x64xf32, #tpu.memory_space<hbm>>) dst(%dma_wait3A_102 : memref<632x64xf32, #tpu.memory_space<vmem_shared>>)
      tpu.yield
    }) : () -> ()
    %barrier3A_56 = arith.constant 0 : index
    tpu.barrier barrier_id(%barrier3A_56)
    %dma_start3A_57 = arith.constant 0 : i32
    %dma_start3A_58 = arith.constant 0 : i32
    %dma_start3A_59 = tpu.memref_slice %arg9[%dma_start3A_57, %dma_start3A_58] : memref<80x128xi32, #tpu.memory_space<vmem>> -> memref<1x128xi32, #tpu.memory_space<vmem>>
    %dma_start3A_60 = tpu.memref_squeeze %dma_start3A_59 : memref<1x128xi32, #tpu.memory_space<vmem>> -> memref<128xi32, #tpu.memory_space<vmem>>
    %dma_start3A_61 = arith.constant 0 : i32
    %dma_start3A_62 = arith.constant 0 : i32
    %dma_start3A_63 = tpu.memref_slice %arg13[%dma_start3A_61, %dma_start3A_62] : memref<10112x64xf32, #tpu.memory_space<vmem_shared>> -> memref<10112x64xf32, #tpu.memory_space<vmem_shared>>
    tpu.enqueue_indirect_dma source(%dma_start3A_63 : memref<10112x64xf32, #tpu.memory_space<vmem_shared>>) target(%arg11 : memref<128x64xf32, #tpu.memory_space<vmem>>) offsets(%dma_start3A_60 : memref<128xi32, #tpu.memory_space<vmem>>) semaphore(%arg15 : memref<!tpu.dma_semaphore, #tpu.memory_space<semaphore_mem>>)
    %dma_start3A_64 = arith.constant 1 : i32
    %dma_start3A_65 = arith.constant 0 : i32
    %dma_start3A_66 = tpu.memref_slice %arg9[%dma_start3A_64, %dma_start3A_65] : memref<80x128xi32, #tpu.memory_space<vmem>> -> memref<1x128xi32, #tpu.memory_space<vmem>>
    %dma_start3A_67 = tpu.memref_squeeze %dma_start3A_66 : memref<1x128xi32, #tpu.memory_space<vmem>> -> memref<128xi32, #tpu.memory_space<vmem>>
    %dma_start3A_68 = arith.constant 0 : i32
    %dma_start3A_69 = arith.constant 0 : i32
    %dma_start3A_70 = tpu.memref_slice %arg13[%dma_start3A_68, %dma_start3A_69] : memref<10112x64xf32, #tpu.memory_space<vmem_shared>> -> memref<10112x64xf32, #tpu.memory_space<vmem_shared>>
    tpu.enqueue_indirect_dma source(%dma_start3A_70 : memref<10112x64xf32, #tpu.memory_space<vmem_shared>>) target(%arg12 : memref<128x64xf32, #tpu.memory_space<vmem>>) offsets(%dma_start3A_67 : memref<128xi32, #tpu.memory_space<vmem>>) semaphore(%arg16 : memref<!tpu.dma_semaphore, #tpu.memory_space<semaphore_mem>>)
    %scan3A_71 = arith.constant 0 : i32
    %scan3A_72 = arith.constant 0 : i32
    %scan3A_73 = arith.constant 40 : i32
    %scan3A_74 = arith.addi %scan3A_72, %scan3A_73 : i32
    %scan3A_75 = arith.constant 1 : i32
    scf.for %scan3A_97 = %scan3A_72 to %scan3A_74 step %scan3A_75  : i32 {
      %mul3A_98 = arith.constant 2 : i32
      %mul3A_99 = arith.muli %scan3A_97, %mul3A_98 : i32
      %add3A_100 = arith.constant 0 : i32
      %add3A_101 = arith.addi %mul3A_99, %add3A_100 : i32
      %dma_wait3A_102 = arith.constant 0 : i32
      %dma_wait3A_103 = arith.constant 0 : i32
      %dma_wait3A_104 = tpu.memref_slice %arg13[%dma_wait3A_102, %dma_wait3A_103] : memref<10112x64xf32, #tpu.memory_space<vmem_shared>> -> memref<128x64xf32, #tpu.memory_space<vmem_shared>>
      %dma_wait3A_105 = arith.constant 0 : i32
      %dma_wait3A_106 = arith.constant 0 : i32
      %dma_wait3A_107 = tpu.memref_slice %arg13[%dma_wait3A_105, %dma_wait3A_106] : memref<10112x64xf32, #tpu.memory_space<vmem_shared>> -> memref<128x64xf32, #tpu.memory_space<vmem_shared>>
      tpu.wait_dma2 semaphore(%arg15 : memref<!tpu.dma_semaphore, #tpu.memory_space<semaphore_mem>>) src(%dma_wait3A_107 : memref<128x64xf32, #tpu.memory_space<vmem_shared>>) dst(%arg11 : memref<128x64xf32, #tpu.memory_space<vmem>>)
      "tpu.region"() ({
        %run_scoped3A = tpu.sem_alloc : memref<!tpu.dma_semaphore, #tpu.memory_space<semaphore_mem>>
        %dma_start3A_137 = arith.constant 0 : i32
        %dma_start3A_138 = tpu.memref_slice %arg10[%add3A_101, %dma_start3A_137] : memref<80x128xi32, #tpu.memory_space<vmem>> -> memref<1x128xi32, #tpu.memory_space<vmem>>
        %dma_start3A_139 = tpu.memref_squeeze %dma_start3A_138 : memref<1x128xi32, #tpu.memory_space<vmem>> -> memref<128xi32, #tpu.memory_space<vmem>>
        %dma_start3A_140 = arith.constant 0 : i32
        %dma_start3A_141 = arith.constant 0 : i32
        %dma_start3A_142 = tpu.memref_slice %arg14[%dma_start3A_140, %dma_start3A_141] : memref<10112x64xf32, #tpu.memory_space<vmem_shared>> -> memref<10112x64xf32, #tpu.memory_space<vmem_shared>>
        tpu.enqueue_indirect_dma source(%arg11 : memref<128x64xf32, #tpu.memory_space<vmem>>) target(%dma_start3A_142 : memref<10112x64xf32, #tpu.memory_space<vmem_shared>>) offsets(%dma_start3A_139 : memref<128xi32, #tpu.memory_space<vmem>>) semaphore(%run_scoped3A : memref<!tpu.dma_semaphore, #tpu.memory_space<semaphore_mem>>) {add = true}
        %dma_wait3A_143 = arith.constant 0 : i32
        %dma_wait3A_144 = tpu.memref_slice %arg10[%add3A_101, %dma_wait3A_143] : memref<80x128xi32, #tpu.memory_space<vmem>> -> memref<1x128xi32, #tpu.memory_space<vmem>>
        %dma_wait3A_145 = tpu.memref_squeeze %dma_wait3A_144 : memref<1x128xi32, #tpu.memory_space<vmem>> -> memref<128xi32, #tpu.memory_space<vmem>>
        %dma_wait3A_146 = arith.constant 0 : i32
        %dma_wait3A_147 = arith.constant 0 : i32
        %dma_wait3A_148 = tpu.memref_slice %arg14[%dma_wait3A_146, %dma_wait3A_147] : memref<10112x64xf32, #tpu.memory_space<vmem_shared>> -> memref<10112x64xf32, #tpu.memory_space<vmem_shared>>
        tpu.wait_indirect_dma semaphore(%run_scoped3A : memref<!tpu.dma_semaphore, #tpu.memory_space<semaphore_mem>>) src(%arg11 : memref<128x64xf32, #tpu.memory_space<vmem>>) dst(%dma_wait3A_148 : memref<10112x64xf32, #tpu.memory_space<vmem_shared>>)
        tpu.yield
      }) : () -> ()
      %add3A_108 = arith.constant 2 : i32
      %add3A_109 = arith.addi %add3A_101, %add3A_108 : i32
      %min3A = arith.constant 79 : i32
      %min3A_110 = arith.minsi %add3A_109, %min3A : i32
      %dma_start3A_111 = arith.constant 0 : i32
      %dma_start3A_112 = tpu.memref_slice %arg9[%min3A_110, %dma_start3A_111] : memref<80x128xi32, #tpu.memory_space<vmem>> -> memref<1x128xi32, #tpu.memory_space<vmem>>
      %dma_start3A_113 = tpu.memref_squeeze %dma_start3A_112 : memref<1x128xi32, #tpu.memory_space<vmem>> -> memref<128xi32, #tpu.memory_space<vmem>>
      %dma_start3A_114 = arith.constant 0 : i32
      %dma_start3A_115 = arith.constant 0 : i32
      %dma_start3A_116 = tpu.memref_slice %arg13[%dma_start3A_114, %dma_start3A_115] : memref<10112x64xf32, #tpu.memory_space<vmem_shared>> -> memref<10112x64xf32, #tpu.memory_space<vmem_shared>>
      tpu.enqueue_indirect_dma source(%dma_start3A_116 : memref<10112x64xf32, #tpu.memory_space<vmem_shared>>) target(%arg11 : memref<128x64xf32, #tpu.memory_space<vmem>>) offsets(%dma_start3A_113 : memref<128xi32, #tpu.memory_space<vmem>>) semaphore(%arg15 : memref<!tpu.dma_semaphore, #tpu.memory_space<semaphore_mem>>)
      %mul3A_117 = arith.constant 2 : i32
      %mul3A_118 = arith.muli %scan3A_97, %mul3A_117 : i32
      %add3A_119 = arith.constant 1 : i32
      %add3A_120 = arith.addi %mul3A_118, %add3A_119 : i32
      %dma_wait3A_121 = arith.constant 0 : i32
      %dma_wait3A_122 = arith.constant 0 : i32
      %dma_wait3A_123 = tpu.memref_slice %arg13[%dma_wait3A_121, %dma_wait3A_122] : memref<10112x64xf32, #tpu.memory_space<vmem_shared>> -> memref<128x64xf32, #tpu.memory_space<vmem_shared>>
      %dma_wait3A_124 = arith.constant 0 : i32
      %dma_wait3A_125 = arith.constant 0 : i32
      %dma_wait3A_126 = tpu.memref_slice %arg13[%dma_wait3A_124, %dma_wait3A_125] : memref<10112x64xf32, #tpu.memory_space<vmem_shared>> -> memref<128x64xf32, #tpu.memory_space<vmem_shared>>
      tpu.wait_dma2 semaphore(%arg16 : memref<!tpu.dma_semaphore, #tpu.memory_space<semaphore_mem>>) src(%dma_wait3A_126 : memref<128x64xf32, #tpu.memory_space<vmem_shared>>) dst(%arg12 : memref<128x64xf32, #tpu.memory_space<vmem>>)
      "tpu.region"() ({
        %run_scoped3A = tpu.sem_alloc : memref<!tpu.dma_semaphore, #tpu.memory_space<semaphore_mem>>
        %dma_start3A_137 = arith.constant 0 : i32
        %dma_start3A_138 = tpu.memref_slice %arg10[%add3A_120, %dma_start3A_137] : memref<80x128xi32, #tpu.memory_space<vmem>> -> memref<1x128xi32, #tpu.memory_space<vmem>>
        %dma_start3A_139 = tpu.memref_squeeze %dma_start3A_138 : memref<1x128xi32, #tpu.memory_space<vmem>> -> memref<128xi32, #tpu.memory_space<vmem>>
        %dma_start3A_140 = arith.constant 0 : i32
        %dma_start3A_141 = arith.constant 0 : i32
        %dma_start3A_142 = tpu.memref_slice %arg14[%dma_start3A_140, %dma_start3A_141] : memref<10112x64xf32, #tpu.memory_space<vmem_shared>> -> memref<10112x64xf32, #tpu.memory_space<vmem_shared>>
        tpu.enqueue_indirect_dma source(%arg12 : memref<128x64xf32, #tpu.memory_space<vmem>>) target(%dma_start3A_142 : memref<10112x64xf32, #tpu.memory_space<vmem_shared>>) offsets(%dma_start3A_139 : memref<128xi32, #tpu.memory_space<vmem>>) semaphore(%run_scoped3A : memref<!tpu.dma_semaphore, #tpu.memory_space<semaphore_mem>>) {add = true}
        %dma_wait3A_143 = arith.constant 0 : i32
        %dma_wait3A_144 = tpu.memref_slice %arg10[%add3A_120, %dma_wait3A_143] : memref<80x128xi32, #tpu.memory_space<vmem>> -> memref<1x128xi32, #tpu.memory_space<vmem>>
        %dma_wait3A_145 = tpu.memref_squeeze %dma_wait3A_144 : memref<1x128xi32, #tpu.memory_space<vmem>> -> memref<128xi32, #tpu.memory_space<vmem>>
        %dma_wait3A_146 = arith.constant 0 : i32
        %dma_wait3A_147 = arith.constant 0 : i32
        %dma_wait3A_148 = tpu.memref_slice %arg14[%dma_wait3A_146, %dma_wait3A_147] : memref<10112x64xf32, #tpu.memory_space<vmem_shared>> -> memref<10112x64xf32, #tpu.memory_space<vmem_shared>>
        tpu.wait_indirect_dma semaphore(%run_scoped3A : memref<!tpu.dma_semaphore, #tpu.memory_space<semaphore_mem>>) src(%arg12 : memref<128x64xf32, #tpu.memory_space<vmem>>) dst(%dma_wait3A_148 : memref<10112x64xf32, #tpu.memory_space<vmem_shared>>)
        tpu.yield
      }) : () -> ()
      %add3A_127 = arith.constant 2 : i32
      %add3A_128 = arith.addi %add3A_120, %add3A_127 : i32
      %min3A_129 = arith.constant 79 : i32
      %min3A_130 = arith.minsi %add3A_128, %min3A_129 : i32
      %dma_start3A_131 = arith.constant 0 : i32
      %dma_start3A_132 = tpu.memref_slice %arg9[%min3A_130, %dma_start3A_131] : memref<80x128xi32, #tpu.memory_space<vmem>> -> memref<1x128xi32, #tpu.memory_space<vmem>>
      %dma_start3A_133 = tpu.memref_squeeze %dma_start3A_132 : memref<1x128xi32, #tpu.memory_space<vmem>> -> memref<128xi32, #tpu.memory_space<vmem>>
      %dma_start3A_134 = arith.constant 0 : i32
      %dma_start3A_135 = arith.constant 0 : i32
      %dma_start3A_136 = tpu.memref_slice %arg13[%dma_start3A_134, %dma_start3A_135] : memref<10112x64xf32, #tpu.memory_space<vmem_shared>> -> memref<10112x64xf32, #tpu.memory_space<vmem_shared>>
      tpu.enqueue_indirect_dma source(%dma_start3A_136 : memref<10112x64xf32, #tpu.memory_space<vmem_shared>>) target(%arg12 : memref<128x64xf32, #tpu.memory_space<vmem>>) offsets(%dma_start3A_133 : memref<128xi32, #tpu.memory_space<vmem>>) semaphore(%arg16 : memref<!tpu.dma_semaphore, #tpu.memory_space<semaphore_mem>>)
    }
    %scan3A_76 = arith.constant 40 : i32
    %dma_wait3A_77 = arith.constant 0 : i32
    %dma_wait3A_78 = arith.constant 0 : i32
    %dma_wait3A_79 = tpu.memref_slice %arg13[%dma_wait3A_77, %dma_wait3A_78] : memref<10112x64xf32, #tpu.memory_space<vmem_shared>> -> memref<128x64xf32, #tpu.memory_space<vmem_shared>>
    %dma_wait3A_80 = arith.constant 0 : i32
    %dma_wait3A_81 = arith.constant 0 : i32
    %dma_wait3A_82 = tpu.memref_slice %arg13[%dma_wait3A_80, %dma_wait3A_81] : memref<10112x64xf32, #tpu.memory_space<vmem_shared>> -> memref<128x64xf32, #tpu.memory_space<vmem_shared>>
    tpu.wait_dma2 semaphore(%arg15 : memref<!tpu.dma_semaphore, #tpu.memory_space<semaphore_mem>>) src(%dma_wait3A_82 : memref<128x64xf32, #tpu.memory_space<vmem_shared>>) dst(%arg11 : memref<128x64xf32, #tpu.memory_space<vmem>>)
    %dma_wait3A_83 = arith.constant 0 : i32
    %dma_wait3A_84 = arith.constant 0 : i32
    %dma_wait3A_85 = tpu.memref_slice %arg13[%dma_wait3A_83, %dma_wait3A_84] : memref<10112x64xf32, #tpu.memory_space<vmem_shared>> -> memref<128x64xf32, #tpu.memory_space<vmem_shared>>
    %dma_wait3A_86 = arith.constant 0 : i32
    %dma_wait3A_87 = arith.constant 0 : i32
    %dma_wait3A_88 = tpu.memref_slice %arg13[%dma_wait3A_86, %dma_wait3A_87] : memref<10112x64xf32, #tpu.memory_space<vmem_shared>> -> memref<128x64xf32, #tpu.memory_space<vmem_shared>>
    tpu.wait_dma2 semaphore(%arg16 : memref<!tpu.dma_semaphore, #tpu.memory_space<semaphore_mem>>) src(%dma_wait3A_88 : memref<128x64xf32, #tpu.memory_space<vmem_shared>>) dst(%arg12 : memref<128x64xf32, #tpu.memory_space<vmem>>)
    %barrier3A_89 = arith.constant 0 : index
    tpu.barrier barrier_id(%barrier3A_89)
    %mul3A_90 = arith.constant 632 : i32
    %mul3A_91 = arith.muli %arg1, %mul3A_90 : i32
    %mul3A_92 = arith.constant 10112 : i32
    %mul3A_93 = arith.muli %arg0, %mul3A_92 : i32
    %mul3A_94 = arith.constant 632 : i32
    %mul3A_95 = arith.muli %arg1, %mul3A_94 : i32
    %add3A_96 = arith.addi %mul3A_93, %mul3A_95 : i32
    "tpu.region"() ({
      %run_scoped3A = tpu.sem_alloc : memref<!tpu.dma_semaphore, #tpu.memory_space<semaphore_mem>>
      %dma_start3A_97 = arith.constant 0 : i32
      %dma_start3A_98 = tpu.memref_slice %arg8[%add3A_96, %dma_start3A_97] : memref<20224x64xf32, #tpu.memory_space<hbm>> -> memref<632x64xf32, #tpu.memory_space<hbm>>
      %dma_start3A_99 = arith.constant 0 : i32
      %dma_start3A_100 = tpu.memref_slice %arg14[%mul3A_91, %dma_start3A_99] : memref<10112x64xf32, #tpu.memory_space<vmem_shared>> -> memref<632x64xf32, #tpu.memory_space<vmem_shared>>
      tpu.enqueue_dma source(%dma_start3A_100 : memref<632x64xf32, #tpu.memory_space<vmem_shared>>) target(%dma_start3A_98 : memref<632x64xf32, #tpu.memory_space<hbm>>) target_semaphore(%run_scoped3A : memref<!tpu.dma_semaphore, #tpu.memory_space<semaphore_mem>>)
      %dma_wait3A_101 = arith.constant 0 : i32
      %dma_wait3A_102 = tpu.memref_slice %arg8[%add3A_96, %dma_wait3A_101] : memref<20224x64xf32, #tpu.memory_space<hbm>> -> memref<632x64xf32, #tpu.memory_space<hbm>>
      %dma_wait3A_103 = arith.constant 0 : i32
      %dma_wait3A_104 = tpu.memref_slice %arg14[%mul3A_91, %dma_wait3A_103] : memref<10112x64xf32, #tpu.memory_space<vmem_shared>> -> memref<632x64xf32, #tpu.memory_space<vmem_shared>>
      tpu.wait_dma2 semaphore(%run_scoped3A : memref<!tpu.dma_semaphore, #tpu.memory_space<semaphore_mem>>) src(%dma_wait3A_104 : memref<632x64xf32, #tpu.memory_space<vmem_shared>>) dst(%dma_wait3A_102 : memref<632x64xf32, #tpu.memory_space<hbm>>)
      tpu.yield
    }) : () -> ()
    return
  }
}

module attributes {stable_mosaic.version = 14 : i64} {
  func.func @body(%arg0: i32, %arg1: memref<2000x128xf32, #tpu.memory_space<vmem>>, %arg2: memref<128x128xf32, #tpu.memory_space<vmem>>, %arg3: memref<2000x128xf32, #tpu.memory_space<vmem>>) attributes {dimension_semantics = [#tpu.dimension_semantics<arbitrary>], iteration_bounds = array<i64: 5>, scalar_prefetch = 0 : i64, scratch_operands = 0 : i64, tpu.core_type = #tpu.core_type<tc>, window_params = [{transform_indices = @transform_0, window_bounds = array<i64: 2000, 128>}, {pipeline_mode = #tpu.pipeline_mode<synchronous>, transform_indices = @transform_1, window_bounds = array<i64: 128, 128>}, {transform_indices = @transform_2, window_bounds = array<i64: 2000, 128>}]} {
    %get3A = arith.constant 0 : index
    %get3A_0 = arith.constant 0 : index
    %get3A_1 = vector.load %arg1[%get3A, %get3A_0] : memref<2000x128xf32, #tpu.memory_space<vmem>>, vector<2000x128xf32>
    %get3A_2 = arith.constant 0 : index
    %get3A_3 = arith.constant 0 : index
    %get3A_4 = vector.load %arg2[%get3A_2, %get3A_3] : memref<128x128xf32, #tpu.memory_space<vmem>>, vector<128x128xf32>
    %dot_general3A = arith.constant dense<0.000000e+00> : vector<2000x128xf32>
    %dot_general3A_5 = tpu.matmul %get3A_1, %get3A_4, %dot_general3A {dimension_numbers = #tpu.dot_dimension_numbers<[1], [0], [0], [1], [0, 0, 1, 1], [], []>, transpose_lhs_hint = false} : vector<2000x128xf32>, vector<128x128xf32>, vector<2000x128xf32> -> vector<2000x128xf32>
    %swap3A = arith.constant 0 : index
    %swap3A_6 = arith.constant 0 : index
    %swap3A_7 = vector.load %arg3[%swap3A, %swap3A_6] : memref<2000x128xf32, #tpu.memory_space<vmem>>, vector<2000x128xf32>
    tpu.vector_store %arg3[%swap3A, %swap3A_6], %dot_general3A_5 {strides = array<i32>} : memref<2000x128xf32, #tpu.memory_space<vmem>>, vector<2000x128xf32>,
    return
  }
  func.func @transform_0(%arg0: i32) -> (i32, i32) {
    %c0_i32 = arith.constant 0 : i32
    %c0_i32_0 = arith.constant 0 : i32
    return %arg0, %c0_i32 : i32, i32
  }
  func.func @transform_1(%arg0: i32) -> (i32, i32) {
    %c0_i32 = arith.constant 0 : i32
    %c0_i32_0 = arith.constant 0 : i32
    %c0_i32_1 = arith.constant 0 : i32
    return %c0_i32, %c0_i32_0 : i32, i32
  }
  func.func @transform_2(%arg0: i32) -> (i32, i32) {
    %c0_i32 = arith.constant 0 : i32
    %c0_i32_0 = arith.constant 0 : i32
    return %arg0, %c0_i32 : i32, i32
  }
}

module attributes {stable_mosaic.version = 14 : i64} {
  func.func @body(%arg0: i32, %arg1: memref<632x128xf32, #tpu.memory_space<vmem>>, %arg2: memref<2x632x16xf32, #tpu.memory_space<vmem>>, %arg3: memref<632x64xf32, #tpu.memory_space<vmem>>, %arg4: memref<632x64xf32, #tpu.memory_space<vmem>>) attributes {dimension_semantics = [#tpu.dimension_semantics<arbitrary>], iteration_bounds = array<i64: 16>, scalar_prefetch = 0 : i64, scratch_operands = 0 : i64, tpu.core_type = #tpu.core_type<tc>, window_params = [{transform_indices = @transform_0, window_bounds = array<i64: 632, 128>}, {transform_indices = @transform_1, window_bounds = array<i64: 2, 632, 16>}, {transform_indices = @transform_2, window_bounds = array<i64: 632, 64>}, {transform_indices = @transform_3, window_bounds = array<i64: 632, 64>}]} {
    %get3A = arith.constant 0 : index
    %get3A_0 = arith.constant 0 : index
    %get3A_1 = vector.load %arg1[%get3A, %get3A_0] : memref<632x128xf32, #tpu.memory_space<vmem>>, vector<632x128xf32>
    %get3A_2 = arith.constant 0 : index
    %get3A_3 = arith.constant 0 : index
    %get3A_4 = arith.constant 0 : index
    %get3A_5 = vector.load %arg2[%get3A_2, %get3A_3, %get3A_4] : memref<2x632x16xf32, #tpu.memory_space<vmem>>, vector<1x632x16xf32>
    %get3A_6 = vector.shape_cast %get3A_5 : vector<1x632x16xf32> to vector<632x16xf32>
    %get3A_7 = arith.constant 1 : index
    %get3A_8 = arith.constant 0 : index
    %get3A_9 = arith.constant 0 : index
    %get3A_10 = vector.load %arg2[%get3A_7, %get3A_8, %get3A_9] : memref<2x632x16xf32, #tpu.memory_space<vmem>>, vector<1x632x16xf32>
    %get3A_11 = vector.shape_cast %get3A_10 : vector<1x632x16xf32> to vector<632x16xf32>
    %add3A = arith.addf %get3A_6, %get3A_11 : vector<632x16xf32>
    %slice3A = vector.extract_strided_slice %add3A {offsets = [0, 0], sizes = [632, 1], strides = [1, 1]} : vector<632x16xf32> to vector<632x1xf32>
    %add3A_12 = arith.constant 1.000000e+00 : f32
    %add3A_13 = vector.broadcast %add3A_12 : f32 to vector<632x1xf32>
    %add3A_14 = arith.addf %slice3A, %add3A_13 : vector<632x1xf32>
    %rsqrt3A = math.rsqrt %add3A_14 : vector<632x1xf32>
    %mul3A = vector.broadcast %rsqrt3A : vector<632x1xf32> to vector<632x128xf32>
    %mul3A_15 = arith.mulf %get3A_1, %mul3A : vector<632x128xf32>
    %slice3A_16 = vector.extract_strided_slice %mul3A_15 {offsets = [0, 0], sizes = [632, 64], strides = [1, 1]} : vector<632x128xf32> to vector<632x64xf32>
    %swap3A = arith.constant 0 : index
    %swap3A_17 = arith.constant 0 : index
    %swap3A_18 = vector.load %arg3[%swap3A, %swap3A_17] : memref<632x64xf32, #tpu.memory_space<vmem>>, vector<632x64xf32>
    tpu.vector_store %arg3[%swap3A, %swap3A_17], %slice3A_16 {strides = array<i32>} : memref<632x64xf32, #tpu.memory_space<vmem>>, vector<632x64xf32>,
    %slice3A_19 = vector.extract_strided_slice %mul3A_15 {offsets = [0, 64], sizes = [632, 64], strides = [1, 1]} : vector<632x128xf32> to vector<632x64xf32>
    %swap3A_20 = arith.constant 0 : index
    %swap3A_21 = arith.constant 0 : index
    %swap3A_22 = vector.load %arg4[%swap3A_20, %swap3A_21] : memref<632x64xf32, #tpu.memory_space<vmem>>, vector<632x64xf32>
    tpu.vector_store %arg4[%swap3A_20, %swap3A_21], %slice3A_19 {strides = array<i32>} : memref<632x64xf32, #tpu.memory_space<vmem>>, vector<632x64xf32>,
    return
  }
  func.func @transform_0(%arg0: i32) -> (i32, i32) {
    %c0_i32 = arith.constant 0 : i32
    %c0_i32_0 = arith.constant 0 : i32
    return %arg0, %c0_i32 : i32, i32
  }
  func.func @transform_1(%arg0: i32) -> (i32, i32, i32) {
    %c0_i32 = arith.constant 0 : i32
    %c0_i32_0 = arith.constant 0 : i32
    %c0_i32_1 = arith.constant 0 : i32
    return %c0_i32, %arg0, %c0_i32_0 : i32, i32, i32
  }
  func.func @transform_2(%arg0: i32) -> (i32, i32) {
    %c0_i32 = arith.constant 0 : i32
    %c0_i32_0 = arith.constant 0 : i32
    return %arg0, %c0_i32 : i32, i32
  }
  func.func @transform_3(%arg0: i32) -> (i32, i32) {
    %c0_i32 = arith.constant 0 : i32
    %c0_i32_0 = arith.constant 0 : i32
    return %arg0, %c0_i32 : i32, i32
  }
}

module attributes {stable_mosaic.version = 14 : i64} {
  func.func @body(%arg0: i32, %arg1: memref<2x632x64xf32, #tpu.memory_space<vmem>>, %arg2: memref<2x632x64xf32, #tpu.memory_space<vmem>>, %arg3: memref<632x64xf32, #tpu.memory_space<vmem>>, %arg4: memref<632x64xf32, #tpu.memory_space<vmem>>, %arg5: memref<2x632x16xf32, #tpu.memory_space<vmem>>, %arg6: memref<1x128xf32, #tpu.memory_space<vmem>>, %arg7: memref<128x128xf32, #tpu.memory_space<vmem>>, %arg8: memref<632x64xf32, #tpu.memory_space<vmem>>, %arg9: memref<632x64xf32, #tpu.memory_space<vmem>>) attributes {dimension_semantics = [#tpu.dimension_semantics<arbitrary>], iteration_bounds = array<i64: 16>, scalar_prefetch = 0 : i64, scratch_operands = 0 : i64, tpu.core_type = #tpu.core_type<tc>, window_params = [{transform_indices = @transform_0, window_bounds = array<i64: 2, 632, 64>}, {transform_indices = @transform_1, window_bounds = array<i64: 2, 632, 64>}, {transform_indices = @transform_2, window_bounds = array<i64: 632, 64>}, {transform_indices = @transform_3, window_bounds = array<i64: 632, 64>}, {transform_indices = @transform_4, window_bounds = array<i64: 2, 632, 16>}, {pipeline_mode = #tpu.pipeline_mode<synchronous>, transform_indices = @transform_5, window_bounds = array<i64: 1, 128>}, {pipeline_mode = #tpu.pipeline_mode<synchronous>, transform_indices = @transform_6, window_bounds = array<i64: 128, 128>}, {transform_indices = @transform_7, window_bounds = array<i64: 632, 64>}, {transform_indices = @transform_8, window_bounds = array<i64: 632, 64>}]} {
    %get3A = arith.constant 0 : index
    %get3A_0 = arith.constant 0 : index
    %get3A_1 = arith.constant 0 : index
    %get3A_2 = vector.load %arg5[%get3A, %get3A_0, %get3A_1] : memref<2x632x16xf32, #tpu.memory_space<vmem>>, vector<1x632x16xf32>
    %get3A_3 = vector.shape_cast %get3A_2 : vector<1x632x16xf32> to vector<632x16xf32>
    %get3A_4 = arith.constant 1 : index
    %get3A_5 = arith.constant 0 : index
    %get3A_6 = arith.constant 0 : index
    %get3A_7 = vector.load %arg5[%get3A_4, %get3A_5, %get3A_6] : memref<2x632x16xf32, #tpu.memory_space<vmem>>, vector<1x632x16xf32>
    %get3A_8 = vector.shape_cast %get3A_7 : vector<1x632x16xf32> to vector<632x16xf32>
    %add3A = arith.addf %get3A_3, %get3A_8 : vector<632x16xf32>
    %slice3A = vector.extract_strided_slice %add3A {offsets = [0, 0], sizes = [632, 1], strides = [1, 1]} : vector<632x16xf32> to vector<632x1xf32>
    %add3A_9 = arith.constant 1.000000e+00 : f32
    %add3A_10 = vector.broadcast %add3A_9 : f32 to vector<632x1xf32>
    %add3A_11 = arith.addf %slice3A, %add3A_10 : vector<632x1xf32>
    %rsqrt3A = math.rsqrt %add3A_11 : vector<632x1xf32>
    %get3A_12 = arith.constant 0 : index
    %get3A_13 = arith.constant 0 : index
    %get3A_14 = arith.constant 0 : index
    %get3A_15 = vector.load %arg1[%get3A_12, %get3A_13, %get3A_14] : memref<2x632x64xf32, #tpu.memory_space<vmem>>, vector<1x632x64xf32>
    %get3A_16 = vector.shape_cast %get3A_15 : vector<1x632x64xf32> to vector<632x64xf32>
    %get3A_17 = arith.constant 1 : index
    %get3A_18 = arith.constant 0 : index
    %get3A_19 = arith.constant 0 : index
    %get3A_20 = vector.load %arg1[%get3A_17, %get3A_18, %get3A_19] : memref<2x632x64xf32, #tpu.memory_space<vmem>>, vector<1x632x64xf32>
    %get3A_21 = vector.shape_cast %get3A_20 : vector<1x632x64xf32> to vector<632x64xf32>
    %add3A_22 = arith.addf %get3A_16, %get3A_21 : vector<632x64xf32>
    %get3A_23 = arith.constant 0 : index
    %get3A_24 = arith.constant 0 : index
    %get3A_25 = vector.load %arg3[%get3A_23, %get3A_24] : memref<632x64xf32, #tpu.memory_space<vmem>>, vector<632x64xf32>
    %add3A_26 = arith.addf %add3A_22, %get3A_25 : vector<632x64xf32>
    %get3A_27 = arith.constant 0 : index
    %get3A_28 = arith.constant 0 : index
    %get3A_29 = arith.constant 0 : index
    %get3A_30 = vector.load %arg2[%get3A_27, %get3A_28, %get3A_29] : memref<2x632x64xf32, #tpu.memory_space<vmem>>, vector<1x632x64xf32>
    %get3A_31 = vector.shape_cast %get3A_30 : vector<1x632x64xf32> to vector<632x64xf32>
    %get3A_32 = arith.constant 1 : index
    %get3A_33 = arith.constant 0 : index
    %get3A_34 = arith.constant 0 : index
    %get3A_35 = vector.load %arg2[%get3A_32, %get3A_33, %get3A_34] : memref<2x632x64xf32, #tpu.memory_space<vmem>>, vector<1x632x64xf32>
    %get3A_36 = vector.shape_cast %get3A_35 : vector<1x632x64xf32> to vector<632x64xf32>
    %add3A_37 = arith.addf %get3A_31, %get3A_36 : vector<632x64xf32>
    %get3A_38 = arith.constant 0 : index
    %get3A_39 = arith.constant 0 : index
    %get3A_40 = vector.load %arg4[%get3A_38, %get3A_39] : memref<632x64xf32, #tpu.memory_space<vmem>>, vector<632x64xf32>
    %add3A_41 = arith.addf %add3A_37, %get3A_40 : vector<632x64xf32>
    %concatenate3A = tpu.concatenate %add3A_26, %add3A_41 in 1 : vector<632x64xf32>, vector<632x64xf32> -> vector<632x128xf32>
    %mul3A = vector.broadcast %rsqrt3A : vector<632x1xf32> to vector<632x128xf32>
    %mul3A_42 = arith.mulf %mul3A, %concatenate3A : vector<632x128xf32>
    %get3A_43 = arith.constant 0 : index
    %get3A_44 = arith.constant 0 : index
    %get3A_45 = vector.load %arg6[%get3A_43, %get3A_44] : memref<1x128xf32, #tpu.memory_space<vmem>>, vector<1x128xf32>
    %add3A_46 = vector.broadcast %get3A_45 : vector<1x128xf32> to vector<632x128xf32>
    %add3A_47 = arith.addf %mul3A_42, %add3A_46 : vector<632x128xf32>
    %max3A = arith.constant 0.000000e+00 : f32
    %max3A_48 = vector.broadcast %max3A : f32 to vector<632x128xf32>
    %max3A_49 = arith.maximumf %add3A_47, %max3A_48 : vector<632x128xf32>
    %get3A_50 = arith.constant 0 : index
    %get3A_51 = arith.constant 0 : index
    %get3A_52 = vector.load %arg7[%get3A_50, %get3A_51] : memref<128x128xf32, #tpu.memory_space<vmem>>, vector<128x128xf32>
    %dot_general3A = arith.constant dense<0.000000e+00> : vector<632x128xf32>
    %dot_general3A_53 = tpu.matmul %max3A_49, %get3A_52, %dot_general3A {dimension_numbers = #tpu.dot_dimension_numbers<[1], [0], [0], [1], [0, 0, 1, 1], [], []>, transpose_lhs_hint = false} : vector<632x128xf32>, vector<128x128xf32>, vector<632x128xf32> -> vector<632x128xf32>
    %mul3A_54 = vector.broadcast %rsqrt3A : vector<632x1xf32> to vector<632x128xf32>
    %mul3A_55 = arith.mulf %mul3A_54, %dot_general3A_53 : vector<632x128xf32>
    %slice3A_56 = vector.extract_strided_slice %mul3A_55 {offsets = [0, 0], sizes = [632, 64], strides = [1, 1]} : vector<632x128xf32> to vector<632x64xf32>
    %swap3A = arith.constant 0 : index
    %swap3A_57 = arith.constant 0 : index
    %swap3A_58 = vector.load %arg8[%swap3A, %swap3A_57] : memref<632x64xf32, #tpu.memory_space<vmem>>, vector<632x64xf32>
    tpu.vector_store %arg8[%swap3A, %swap3A_57], %slice3A_56 {strides = array<i32>} : memref<632x64xf32, #tpu.memory_space<vmem>>, vector<632x64xf32>,
    %slice3A_59 = vector.extract_strided_slice %mul3A_55 {offsets = [0, 64], sizes = [632, 64], strides = [1, 1]} : vector<632x128xf32> to vector<632x64xf32>
    %swap3A_60 = arith.constant 0 : index
    %swap3A_61 = arith.constant 0 : index
    %swap3A_62 = vector.load %arg9[%swap3A_60, %swap3A_61] : memref<632x64xf32, #tpu.memory_space<vmem>>, vector<632x64xf32>
    tpu.vector_store %arg9[%swap3A_60, %swap3A_61], %slice3A_59 {strides = array<i32>} : memref<632x64xf32, #tpu.memory_space<vmem>>, vector<632x64xf32>,
    return
  }
  func.func @transform_0(%arg0: i32) -> (i32, i32, i32) {
    %c0_i32 = arith.constant 0 : i32
    %c0_i32_0 = arith.constant 0 : i32
    %c0_i32_1 = arith.constant 0 : i32
    return %c0_i32, %arg0, %c0_i32_0 : i32, i32, i32
  }
  func.func @transform_1(%arg0: i32) -> (i32, i32, i32) {
    %c0_i32 = arith.constant 0 : i32
    %c0_i32_0 = arith.constant 0 : i32
    %c0_i32_1 = arith.constant 0 : i32
    return %c0_i32, %arg0, %c0_i32_0 : i32, i32, i32
  }
  func.func @transform_2(%arg0: i32) -> (i32, i32) {
    %c0_i32 = arith.constant 0 : i32
    %c0_i32_0 = arith.constant 0 : i32
    return %arg0, %c0_i32 : i32, i32
  }
  func.func @transform_3(%arg0: i32) -> (i32, i32) {
    %c0_i32 = arith.constant 0 : i32
    %c0_i32_0 = arith.constant 0 : i32
    return %arg0, %c0_i32 : i32, i32
  }
  func.func @transform_4(%arg0: i32) -> (i32, i32, i32) {
    %c0_i32 = arith.constant 0 : i32
    %c0_i32_0 = arith.constant 0 : i32
    %c0_i32_1 = arith.constant 0 : i32
    return %c0_i32, %arg0, %c0_i32_0 : i32, i32, i32
  }
  func.func @transform_5(%arg0: i32) -> (i32, i32) {
    %c0_i32 = arith.constant 0 : i32
    %c0_i32_0 = arith.constant 0 : i32
    %c0_i32_1 = arith.constant 0 : i32
    return %c0_i32, %c0_i32_0 : i32, i32
  }
  func.func @transform_6(%arg0: i32) -> (i32, i32) {
    %c0_i32 = arith.constant 0 : i32
    %c0_i32_0 = arith.constant 0 : i32
    %c0_i32_1 = arith.constant 0 : i32
    return %c0_i32, %c0_i32_0 : i32, i32
  }
  func.func @transform_7(%arg0: i32) -> (i32, i32) {
    %c0_i32 = arith.constant 0 : i32
    %c0_i32_0 = arith.constant 0 : i32
    return %arg0, %c0_i32 : i32, i32
  }
  func.func @transform_8(%arg0: i32) -> (i32, i32) {
    %c0_i32 = arith.constant 0 : i32
    %c0_i32_0 = arith.constant 0 : i32
    return %arg0, %c0_i32 : i32, i32
  }
}

module attributes {stable_mosaic.version = 14 : i64} {
  func.func @body(%arg0: i32, %arg1: memref<2x632x64xf32, #tpu.memory_space<vmem>>, %arg2: memref<2x632x64xf32, #tpu.memory_space<vmem>>, %arg3: memref<632x64xf32, #tpu.memory_space<vmem>>, %arg4: memref<632x64xf32, #tpu.memory_space<vmem>>, %arg5: memref<2x632x16xf32, #tpu.memory_space<vmem>>, %arg6: memref<1x128xf32, #tpu.memory_space<vmem>>, %arg7: memref<128x128xf32, #tpu.memory_space<vmem>>, %arg8: memref<1x128xf32, #tpu.memory_space<vmem>>, %arg9: memref<632x128xf32, #tpu.memory_space<vmem>>) attributes {dimension_semantics = [#tpu.dimension_semantics<arbitrary>], iteration_bounds = array<i64: 16>, scalar_prefetch = 0 : i64, scratch_operands = 0 : i64, tpu.core_type = #tpu.core_type<tc>, window_params = [{transform_indices = @transform_0, window_bounds = array<i64: 2, 632, 64>}, {transform_indices = @transform_1, window_bounds = array<i64: 2, 632, 64>}, {transform_indices = @transform_2, window_bounds = array<i64: 632, 64>}, {transform_indices = @transform_3, window_bounds = array<i64: 632, 64>}, {transform_indices = @transform_4, window_bounds = array<i64: 2, 632, 16>}, {pipeline_mode = #tpu.pipeline_mode<synchronous>, transform_indices = @transform_5, window_bounds = array<i64: 1, 128>}, {pipeline_mode = #tpu.pipeline_mode<synchronous>, transform_indices = @transform_6, window_bounds = array<i64: 128, 128>}, {pipeline_mode = #tpu.pipeline_mode<synchronous>, transform_indices = @transform_7, window_bounds = array<i64: 1, 128>}, {transform_indices = @transform_8, window_bounds = array<i64: 632, 128>}]} {
    %get3A = arith.constant 0 : index
    %get3A_0 = arith.constant 0 : index
    %get3A_1 = arith.constant 0 : index
    %get3A_2 = vector.load %arg5[%get3A, %get3A_0, %get3A_1] : memref<2x632x16xf32, #tpu.memory_space<vmem>>, vector<1x632x16xf32>
    %get3A_3 = vector.shape_cast %get3A_2 : vector<1x632x16xf32> to vector<632x16xf32>
    %get3A_4 = arith.constant 1 : index
    %get3A_5 = arith.constant 0 : index
    %get3A_6 = arith.constant 0 : index
    %get3A_7 = vector.load %arg5[%get3A_4, %get3A_5, %get3A_6] : memref<2x632x16xf32, #tpu.memory_space<vmem>>, vector<1x632x16xf32>
    %get3A_8 = vector.shape_cast %get3A_7 : vector<1x632x16xf32> to vector<632x16xf32>
    %add3A = arith.addf %get3A_3, %get3A_8 : vector<632x16xf32>
    %slice3A = vector.extract_strided_slice %add3A {offsets = [0, 0], sizes = [632, 1], strides = [1, 1]} : vector<632x16xf32> to vector<632x1xf32>
    %add3A_9 = arith.constant 1.000000e+00 : f32
    %add3A_10 = vector.broadcast %add3A_9 : f32 to vector<632x1xf32>
    %add3A_11 = arith.addf %slice3A, %add3A_10 : vector<632x1xf32>
    %rsqrt3A = math.rsqrt %add3A_11 : vector<632x1xf32>
    %get3A_12 = arith.constant 0 : index
    %get3A_13 = arith.constant 0 : index
    %get3A_14 = arith.constant 0 : index
    %get3A_15 = vector.load %arg1[%get3A_12, %get3A_13, %get3A_14] : memref<2x632x64xf32, #tpu.memory_space<vmem>>, vector<1x632x64xf32>
    %get3A_16 = vector.shape_cast %get3A_15 : vector<1x632x64xf32> to vector<632x64xf32>
    %get3A_17 = arith.constant 1 : index
    %get3A_18 = arith.constant 0 : index
    %get3A_19 = arith.constant 0 : index
    %get3A_20 = vector.load %arg1[%get3A_17, %get3A_18, %get3A_19] : memref<2x632x64xf32, #tpu.memory_space<vmem>>, vector<1x632x64xf32>
    %get3A_21 = vector.shape_cast %get3A_20 : vector<1x632x64xf32> to vector<632x64xf32>
    %add3A_22 = arith.addf %get3A_16, %get3A_21 : vector<632x64xf32>
    %get3A_23 = arith.constant 0 : index
    %get3A_24 = arith.constant 0 : index
    %get3A_25 = vector.load %arg3[%get3A_23, %get3A_24] : memref<632x64xf32, #tpu.memory_space<vmem>>, vector<632x64xf32>
    %add3A_26 = arith.addf %add3A_22, %get3A_25 : vector<632x64xf32>
    %get3A_27 = arith.constant 0 : index
    %get3A_28 = arith.constant 0 : index
    %get3A_29 = arith.constant 0 : index
    %get3A_30 = vector.load %arg2[%get3A_27, %get3A_28, %get3A_29] : memref<2x632x64xf32, #tpu.memory_space<vmem>>, vector<1x632x64xf32>
    %get3A_31 = vector.shape_cast %get3A_30 : vector<1x632x64xf32> to vector<632x64xf32>
    %get3A_32 = arith.constant 1 : index
    %get3A_33 = arith.constant 0 : index
    %get3A_34 = arith.constant 0 : index
    %get3A_35 = vector.load %arg2[%get3A_32, %get3A_33, %get3A_34] : memref<2x632x64xf32, #tpu.memory_space<vmem>>, vector<1x632x64xf32>
    %get3A_36 = vector.shape_cast %get3A_35 : vector<1x632x64xf32> to vector<632x64xf32>
    %add3A_37 = arith.addf %get3A_31, %get3A_36 : vector<632x64xf32>
    %get3A_38 = arith.constant 0 : index
    %get3A_39 = arith.constant 0 : index
    %get3A_40 = vector.load %arg4[%get3A_38, %get3A_39] : memref<632x64xf32, #tpu.memory_space<vmem>>, vector<632x64xf32>
    %add3A_41 = arith.addf %add3A_37, %get3A_40 : vector<632x64xf32>
    %concatenate3A = tpu.concatenate %add3A_26, %add3A_41 in 1 : vector<632x64xf32>, vector<632x64xf32> -> vector<632x128xf32>
    %mul3A = vector.broadcast %rsqrt3A : vector<632x1xf32> to vector<632x128xf32>
    %mul3A_42 = arith.mulf %mul3A, %concatenate3A : vector<632x128xf32>
    %get3A_43 = arith.constant 0 : index
    %get3A_44 = arith.constant 0 : index
    %get3A_45 = vector.load %arg6[%get3A_43, %get3A_44] : memref<1x128xf32, #tpu.memory_space<vmem>>, vector<1x128xf32>
    %add3A_46 = vector.broadcast %get3A_45 : vector<1x128xf32> to vector<632x128xf32>
    %add3A_47 = arith.addf %mul3A_42, %add3A_46 : vector<632x128xf32>
    %max3A = arith.constant 0.000000e+00 : f32
    %max3A_48 = vector.broadcast %max3A : f32 to vector<632x128xf32>
    %max3A_49 = arith.maximumf %add3A_47, %max3A_48 : vector<632x128xf32>
    %get3A_50 = arith.constant 0 : index
    %get3A_51 = arith.constant 0 : index
    %get3A_52 = vector.load %arg7[%get3A_50, %get3A_51] : memref<128x128xf32, #tpu.memory_space<vmem>>, vector<128x128xf32>
    %dot_general3A = arith.constant dense<0.000000e+00> : vector<632x128xf32>
    %dot_general3A_53 = tpu.matmul %max3A_49, %get3A_52, %dot_general3A {dimension_numbers = #tpu.dot_dimension_numbers<[1], [0], [0], [1], [0, 0, 1, 1], [], []>, transpose_lhs_hint = false} : vector<632x128xf32>, vector<128x128xf32>, vector<632x128xf32> -> vector<632x128xf32>
    %get3A_54 = arith.constant 0 : index
    %get3A_55 = arith.constant 0 : index
    %get3A_56 = vector.load %arg8[%get3A_54, %get3A_55] : memref<1x128xf32, #tpu.memory_space<vmem>>, vector<1x128xf32>
    %add3A_57 = vector.broadcast %get3A_56 : vector<1x128xf32> to vector<632x128xf32>
    %add3A_58 = arith.addf %dot_general3A_53, %add3A_57 : vector<632x128xf32>
    %swap3A = arith.constant 0 : index
    %swap3A_59 = arith.constant 0 : index
    %swap3A_60 = vector.load %arg9[%swap3A, %swap3A_59] : memref<632x128xf32, #tpu.memory_space<vmem>>, vector<632x128xf32>
    tpu.vector_store %arg9[%swap3A, %swap3A_59], %add3A_58 {strides = array<i32>} : memref<632x128xf32, #tpu.memory_space<vmem>>, vector<632x128xf32>,
    return
  }
  func.func @transform_0(%arg0: i32) -> (i32, i32, i32) {
    %c0_i32 = arith.constant 0 : i32
    %c0_i32_0 = arith.constant 0 : i32
    %c0_i32_1 = arith.constant 0 : i32
    return %c0_i32, %arg0, %c0_i32_0 : i32, i32, i32
  }
  func.func @transform_1(%arg0: i32) -> (i32, i32, i32) {
    %c0_i32 = arith.constant 0 : i32
    %c0_i32_0 = arith.constant 0 : i32
    %c0_i32_1 = arith.constant 0 : i32
    return %c0_i32, %arg0, %c0_i32_0 : i32, i32, i32
  }
  func.func @transform_2(%arg0: i32) -> (i32, i32) {
    %c0_i32 = arith.constant 0 : i32
    %c0_i32_0 = arith.constant 0 : i32
    return %arg0, %c0_i32 : i32, i32
  }
  func.func @transform_3(%arg0: i32) -> (i32, i32) {
    %c0_i32 = arith.constant 0 : i32
    %c0_i32_0 = arith.constant 0 : i32
    return %arg0, %c0_i32 : i32, i32
  }
  func.func @transform_4(%arg0: i32) -> (i32, i32, i32) {
    %c0_i32 = arith.constant 0 : i32
    %c0_i32_0 = arith.constant 0 : i32
    %c0_i32_1 = arith.constant 0 : i32
    return %c0_i32, %arg0, %c0_i32_0 : i32, i32, i32
  }
  func.func @transform_5(%arg0: i32) -> (i32, i32) {
    %c0_i32 = arith.constant 0 : i32
    %c0_i32_0 = arith.constant 0 : i32
    %c0_i32_1 = arith.constant 0 : i32
    return %c0_i32, %c0_i32_0 : i32, i32
  }
  func.func @transform_6(%arg0: i32) -> (i32, i32) {
    %c0_i32 = arith.constant 0 : i32
    %c0_i32_0 = arith.constant 0 : i32
    %c0_i32_1 = arith.constant 0 : i32
    return %c0_i32, %c0_i32_0 : i32, i32
  }
  func.func @transform_7(%arg0: i32) -> (i32, i32) {
    %c0_i32 = arith.constant 0 : i32
    %c0_i32_0 = arith.constant 0 : i32
    %c0_i32_1 = arith.constant 0 : i32
    return %c0_i32, %c0_i32_0 : i32, i32
  }
  func.func @transform_8(%arg0: i32) -> (i32, i32) {
    %c0_i32 = arith.constant 0 : i32
    %c0_i32_0 = arith.constant 0 : i32
    return %arg0, %c0_i32 : i32, i32
  }
}

</mosaic_0001>

<sc_bundles>
// kernel: kernel.12.cloned.1.call-start
scs
__scs_entry_jumppad:
0x0: {  	(pc) =	sbr.rel $0x88, $3  }
0x1: {  	(tag) =	ssettag $0x0;
	lr =	simm.s32 $0x1  }
0x2: {  	[smem:$0x3F99] =	sst lr;
	_ =	strace $0xD0000000  }
0x3: {  	_ = 	snop  }
0x4: {  	_ = 	snop  }
0x5: {  	_ = 	snop  }
0x6: {  	_ = 	snop  }
0x7: {  	_ = 	snop  }
__scs_overlays_trampoline_lowered:
0x8: {  	[smem:$0x3FA8] =	sst s0  }
0x9: {  	[smem:$0x3FA9] =	sst s1  }
0xa: {  	[smem:$0x3FAA] =	sst s2  }
0xb: {  	[smem:$0x3FAB] =	sst s3  }
0xc: {  	[smem:$0x3FAC] =	sst s4  }
0xd: {  	[smem:$0x3FAD] =	sst s5  }
0xe: {  	[smem:$0x3FAE] =	sst s6  }
0xf: {  	[smem:$0x3FAF] =	sst s7  }
0x10: {  	[smem:$0x3FB0] =	sst s8  }
0x11: {  	[smem:$0x3FB1] =	sst s9;
	s0 =	simm.s32 @!p0 $0x0  }
0x12: {  	s1 =	sld [smem:$0x3F97];
	s0 =	simm.s32 @p0 $0x1  }
0x13: {  	[smem:$0x3FB2] =	sst s0;
	s0 =	simm.s32 @!p1 $0x0  }
0x14: {  	s2 =	sld [smem:$0x3F96];
	s0 =	simm.s32 @p1 $0x1  }
0x15: {  	[smem:$0x3FB3] =	sst s0;
	s0 =	simm.s32 @!p2 $0x0  }
0x16: {  	s3 =	sld [smem:$0x3FDB];
	s0 =	simm.s32 @p2 $0x1  }
0x17: {  	s4 =	simm.s32 $0x1BF5;
	[smem:$0x3FB5] =	sst s0  }
0x18: {  	s0 =	sld [smem:$0x3F98];
	_ =	swait.ge [sflag:s4], $0x0  }
0x19: {  	s7 =	sld [smem:$0x3F99]  }
0x1a: {  	s8 =	sadd.s32 $0xFFFFE003, lr  }
0x1b: {  	s9 =	sadd.s32 $0xFFFFFEF7, lr;
	s5 =	simm.s32 $0xFFFFFFFF;
	p2 =	slt.u32 s8, $0xFFFFF086  }
0x1c: {  	p1 =	slt.u32 s9, $0xF7A;
	s5 =	simm.s32 @!p2 $0x0  }
0x1d: {  	s5 =	simm.s32 @p1 $0x1;
	p0 =	seq.s32 s7, s2  }
0x1e: {  	s7 =	smul.u32 @!p0 $0xF7A, s2;
	p2 =	seq.s32 @!p0 s5, $0x0  }
0x1f: {  	s9 =	smul.u32 $0xF7A, s1;
	s8 =	simm.s32 @!p0 $0x1BF5;
	p2 =	por !p2, p0  }
0x20: {  	[sflag:s8] =	ssyncset.s32 @!p0 $0xFFFFF086;
	s6 =	sadd.s32 @!p0 s3, s7;
	s7 =	simm.s32 @!p0 $0x108  }
0x21: {  	s3 =	sadd.s32 s3, s9;
	s6 =	sadd.s32 @!p0 $0x88, s6;
	s7 =	simm.s32 @p2 $0x1082  }
0x22: {  	[simem:s7], [sflag:s8] =	dma.local @!p0 [hbm:s6], $0xF7A  }
0x23: {  	s9 =	sor.u32 $0xD0000000, s2;
	s6 =	simm.s32 $0x108;
	_ =	swait.ge @!p0 [sflag:s8], $0x0  }
0x24: {  	s3 =	sadd.s32 $0x88, s3;
	s6 =	simm.s32 @!p1 $0x1082;
	[sflag:s4] =	ssyncset.s32 $0xFFFFF086  }
0x25: {  	[simem:s6], [sflag:s4] =	dma.local [hbm:s3], $0xF7A  }
0x26: {  	[smem:$0x3F99] =	sst s1;
	(tag) =	ssettag s2;
	_ =	strace s9  }
0x27: {  	s1 =	sld [smem:$0x3FA9]  }
0x28: {  	s2 =	sld [smem:$0x3FAA]  }
0x29: {  	s4 =	sld [smem:$0x3FAC]  }
0x2a: {  	p0 =	seq.s32 s5, $0x0;
	s5 =	sld [smem:$0x3FAD]  }
0x2b: {  	s6 =	sld [smem:$0x3FAE]  }
0x2c: {  	s7 =	sld [smem:$0x3FAF]  }
0x2d: {  	s3 =	simm.s32 $0x108;
	s8 =	sld [smem:$0x3FB0]  }
0x2e: {  	s3 =	simm.s32 @!p0 $0x1082;
	s9 =	sld [smem:$0x3FB1]  }
0x2f: {  	lr =	sadd.s32 s0, s3;
	s0 =	sld [smem:$0x3FA8]  }
0x30: {  	s3 =	sld [smem:$0x3FAB]  }
0x31: {  	[smem:$0x3FB4] =	sst s10  }
0x32: {  	s10 =	sld [smem:$0x3FB2];
	_ =	sdelay $0x3  }
0x33: {  	p0 =	seq.s32 s10, $0x1;
	s10 =	sld [smem:$0x3FB4];
	_ =	sdelay $0x3  }
0x34: {  	[smem:$0x3FB4] =	sst s10  }
0x35: {  	s10 =	sld [smem:$0x3FB3];
	_ =	sdelay $0x3  }
0x36: {  	p1 =	seq.s32 s10, $0x1;
	s10 =	sld [smem:$0x3FB4];
	_ =	sdelay $0x3  }
0x37: {  	[smem:$0x3FB4] =	sst s10  }
0x38: {  	s10 =	sld [smem:$0x3FB5]  }
0x39: {  	_ = 	snop;
	(pc) =	sbr.ind lr, $3  }
0x3a: {  	_ = 	snop  }
0x3b: {  	_ = 	snop  }
0x3c: {  	p2 =	seq.s32 s10, $0x1;
	s10 =	sld [smem:$0x3FB4]  }
0x3d: {  	_ =	shalt  }
0x3e: {  	_ =	shalt  }
0x3f: {  	_ =	shalt  }
0x40: {  	_ =	shalt  }
0x41: {  	_ =	shalt  }
0x42: {  	_ =	shalt  }
0x43: {  	_ =	shalt  }
0x44: {  	_ =	shalt  }
0x45: {  	_ =	shalt  }
0x46: {  	_ =	shalt  }
0x47: {  	_ =	shalt  }
0x48: {  	_ =	shalt  }
0x49: {  	_ =	shalt  }
0x4a: {  	_ =	shalt  }
0x4b: {  	_ =	shalt  }
0x4c: {  	_ =	shalt  }
0x4d: {  	_ =	shalt  }
0x4e: {  	_ =	shalt  }
0x4f: {  	_ =	shalt  }
0x50: {  	_ =	shalt  }
0x51: {  	_ =	shalt  }
0x52: {  	_ =	shalt  }
0x53: {  	_ =	shalt  }
0x54: {  	_ =	shalt  }
0x55: {  	_ =	shalt  }
0x56: {  	_ =	shalt  }
0x57: {  	_ =	shalt  }
0x58: {  	_ =	shalt  }
0x59: {  	_ =	shalt  }
0x5a: {  	_ =	shalt  }
0x5b: {  	_ =	shalt  }
0x5c: {  	_ =	shalt  }
0x5d: {  	_ =	shalt  }
0x5e: {  	_ =	shalt  }
0x5f: {  	_ =	shalt  }
0x60: {  	_ =	shalt  }
0x61: {  	_ =	shalt  }
0x62: {  	_ =	shalt  }
0x63: {  	_ =	shalt  }
0x64: {  	_ =	shalt  }
0x65: {  	_ =	shalt  }
0x66: {  	_ =	shalt  }
0x67: {  	_ =	shalt  }
0x68: {  	_ =	shalt  }
0x69: {  	_ =	shalt  }
0x6a: {  	_ =	shalt  }
0x6b: {  	_ =	shalt  }
0x6c: {  	_ =	shalt  }
0x6d: {  	_ =	shalt  }
0x6e: {  	_ =	shalt  }
0x6f: {  	_ =	shalt  }
0x70: {  	_ =	shalt  }
0x71: {  	_ =	shalt  }
0x72: {  	_ =	shalt  }
0x73: {  	_ =	shalt  }
0x74: {  	_ =	shalt  }
0x75: {  	_ =	shalt  }
0x76: {  	_ =	shalt  }
0x77: {  	_ =	shalt  }
0x78: {  	_ =	shalt  }
0x79: {  	_ =	shalt  }
0x7a: {  	_ =	shalt  }
0x7b: {  	_ =	shalt  }
0x7c: {  	_ =	shalt  }
0x7d: {  	_ =	shalt  }
0x7e: {  	_ =	shalt  }
0x7f: {  	_ =	shalt  }
0x80: {  	_ =	shalt  }
0x81: {  	_ =	shalt  }
0x82: {  	_ =	shalt  }
0x83: {  	_ =	shalt  }
0x84: {  	_ =	shalt  }
0x85: {  	_ =	shalt  }
0x86: {  	_ =	shalt  }
0x87: {  	_ =	shalt  }
.Lfunc_end0:
.L_simem_size_0:
called_computation.1_lowered:
.L_overlay_start_0:
0x88: {  	s2 =	sld [smem:$0x3FD9]  }
0x89: {  	s3 =	sld [smem:$0x3FFE];
	_ =	sdelay $0x1  }
0x8a: {  	s1 =	srdreg.scid  }
0x8b: {  	s0 =	sand.u32 $0x1, s1  }
0x8c: {  	s17 =	sshll.u32 s0, $0xA;
	s2 =	sadd.s32 s3, s2  }
0x8d: {  	s2 =	sadd.s32 s2, s17  }
0x8e: {  	[smem:$0x3FC0] =	sst s2  }
0x8f: {  	_ = 	snop  }
0x90: {  	s2 =	sld [smem:$0x3FD0];
	(tm) =	ssettm $0x1  }
0x91: {  	s18 =	sld [smem:$0x3FFB];
	_ =	sdelay $0x3  }
0x92: {  	_ =	strace s18  }
0x93: {  	s3 =	sld [smem:$0x3FFC];
	_ =	sdelay $0x3  }
0x94: {  	_ =	strace s3  }
0x95: {  	s3 =	sld [smem:$0x3FFD];
	_ =	sdelay $0x3  }
0x96: {  	_ =	strace s3  }
0x97: {  	_ =	strace $0x8FFFFFFF  }
0x98: {  	s19 =	sld [smem:$0x3FDB];
	_ =	sdelay $0x1  }
0x99: {  	s4 =	simm.s32 $_scs_section_size  }
0x9a: {  	s5 =	simm.s32 $_size__tile_overlayer_lowered;
	s6 =	simm.s32 $_tile_overlayer_lowered  }
0x9b: {  	s22 =	simm.s32 $0x1BFF;
	s21 =	sshll.u32 s6, $0x1;
	s3 =	sadd.s32 s4, s19  }
0x9c: {  	s7 =	simm.s32 $0x0;
	s20 =	sshll.u32 s5, $0x1;
	s5 =	sadd.s32 s21, s3  }
0x9d: {  	[timem:s7], [sflag:s22] =	dma.local [hbm:s5], s20  }
0x9e: {  	_ =	swait.ge [sflag:s22], s20  }
0x9f: {  	s4 =	ssub.s32 $0x0, s20;
	[sflag:s22] =	ssyncset.done $0x0  }
0xa0: {  	[sflag:s22] =	ssyncadd.s32 s4;
	_ =	sdelay $0x1  }
0xa1: {  	s23 =	simm.s32 $0x1B8B  }
0xa2: {  	_ =	swait.ge [sflag:s23], $0x1  }
0xa3: {  	[sflag:s23] =	ssyncset.done $0x0  }
0xa4: {  	s25 =	simm.s32 $0x1B8E;
	s24 =	sld [smem:$0x3FFE];
	[sflag:s23] =	ssyncadd.s32 $0xFFFFFFFF  }
0xa5: {  	s26 =	simm.s32 $execute0_lowered;
	[smem:$0x3FD2] =	sst s25  }
0xa6: {  	s5 =	sshll.u32 s26, $0x1;
	_ =	strace $0x80000049;
	[dreg:$0x1] =	wrdreg $0xFFFFFFFF  }
0xa7: {  	s28 =	simm.s32 $_size_execute0_lowered;
	s3 =	sadd.s32 s3, s5;
	[dreg:$0x0] =	wrdreg $0x0  }
0xa8: {  	s5 =	sshll.u32 s28, $0x1;
	[dreg:$0x2] =	wrdreg s3  }
0xa9: {  	[dreg:$0x3] =	wrdreg s5  }
0xaa: {  	[dreg:$0x4] =	wrdreg $0xC0  }
0xab: {  	_ =	task [dreg:s7], $0x5FFFF  }
0xac: {  	[dreg:$0x1] =	wrdreg $0xFFFFFFFF  }
0xad: {  	[dreg:$0x0] =	wrdreg $0x60  }
0xae: {  	[dreg:$0x2] =	wrdreg s2  }
0xaf: {  	[dreg:$0x3] =	wrdreg s24  }
0xb0: {  	[dreg:$0x4] =	wrdreg $0x90000  }
0xb1: {  	[dreg:$0x5] =	wrdreg $0x12E000  }
0xb2: {  	[dreg:$0x6] =	wrdreg $0x9  }
0xb3: {  	_ =	task.clear_ibuf [dreg:s7], $0x7FFFF;
	_ =	strace $0x90000049  }
0xb4: {  	s29 =	simm.s32 $0x9;
	_ =	strace $0x8000004B  }
0xb5: {  	_ =	swait.ge [sflag:s29], $0x1  }
0xb6: {  	[sflag:s29] =	ssyncadd.s32 $0xFFFFFFFF  }
0xb7: {  	_ =	strace $0x9000004B  }
0xb8: {  	_ =	sfence  }
0xb9: {  	s30 =	sld [smem:$0x0];
	_ =	sdelay $0x2  }
0xba: {  	s31 =	sshll.u32 s1, $0xD;
	s1 =	sshrl.u32 s1, $0x2  }
0xbb: {  	s3 =	sand.u32 $0x4000, s31;
	s1 =	sadd.s32 s1, s30  }
0xbc: {  	s0 =	sor.u32 s3, s0;
	s1 =	sshll.u32 s1, $0x11  }
0xbd: {  	s0 =	sor.u32 s1, s0  }
0xbe: {  	s0 =	sadd.s32 $0x8F2B, s0  }
0xbf: {  	[sflag:s0] =	ssyncadd.remote.s32 $0x1  }
0xc0: {  	_ =	sfence.sel $0xFFFF  }
0xc1: {  	[dreg:$0x0] =	wrdreg $0xFFFFFFFF;
	(pc) =	sbr.abs _section_cstart, $3  }
0xc2: {  	[dreg:$0x1] =	wrdreg $0xFFFFFFFF  }
0xc3: {  	_ =	task.clear_ibuf [dreg:s7], $0x2FFFF;
	_ =	strace $0x9FFFFFFF  }
0xc4: {  	(tm) =	ssettm $0x7FFFFFFF  }
0xc5: {  	_ =	shalt  }
tec
execute0_lowered:
.L_overlay_start_1:
0x0: {  	(tag) =	ssettag $0x1  }
0x1: {  	s0 =	rddreg [dreg:$0x0]  }
0x2: {  	s5 =	rddreg [dreg:$0x1]  }
0x3: {  	s2 =	rddreg [dreg:$0x2]  }
0x4: {  	s3 =	rddreg [dreg:$0x3];
	s1 =	stileid.u32  }
0x5: {  	s4 =	srdreg.scid;
	s18 =	simm.s32 $0x80;
	s19 =	simm.s32 $0x5000  }
0x6: {  	s20 =	simm.s32 $0x7000;
	s21 =	simm.s32 $0x1;
	s22 =	simm.s32 $0x2  }
0x7: {  	s23 =	simm.s32 $0x4E00;
	s24 =	simm.s32 $0x2700;
	s25 =	simm.s32 $0x4E80  }
0x8: {  	s28 =	simm.s32 $0x4F00;
	s29 =	simm.s32 $0x4F80;
	s30 =	simm.s32 $0x0  }
0x9: {  	s8 =	smul.u32 $0x9E00, s1;
	s6 =	sand.u32 $0x1, s4;
	s4 =	simm.s32 $0x0  }
0xa: {  	s9 =	smul.u32 $0x278, s1;
	s15 =	sshll.u32 s1, $0x6;
	s7 =	sshll.u32 s6, $0x4  }
0xb: {  	[smem:$0x7FF] =	sst s4;
	s10 =	smul.u32 $0x2780, s6;
	s6 =	ssub.s32 $0x2, s6  }
0xc: {  	s15 =	sor.u32 $0x1C03, s15;
	s7 =	sor.u32 s1, s7;
	_ =	strace $0x8000004A  }
0xd: {  	s11 =	sshrl.u32 s8, $0x3;
	s26 =	sshrl.u32 s6, $0x1;
	s16 =	sadd.s32 s8, s2  }
0xe: {  	s31 =	sadd.s32 s8, s3;
	s7 =	smul.u32 $0x500, s7;
	s12 =	sadd.s32 s11, s5  }
0xf: {  	s9 =	sadd.s32 s9, s10;
	s14 =	ssub.s32 s6, s26;
	s16 =	sshrl.u32 s16, $0x3  }
0x10: {  	s17 =	sshrl.u32 s31, $0x3;
	s26 =	simm.s32 $0x2780;
	s9 =	sshll.u32 s9, $0x3  }
0x11: {  	s8 =	sadd.s32 $0x7E600, s12;
	s10 =	sadd.s32 $0x6AA00, s12;
	s12 =	smax.u32 s14, $0x1  }
0x12: {  	s14 =	simm.s32 $0x2800;
	s7 =	sadd.s32 s7, s5;
	s13 =	sadd.s32 s9, s5  }
0x13: {  	s5 =	sadd.s32 $0x11A00, s7;
	s6 =	sadd.s32 $0x2800, s7;
	s7 =	sadd.s32 s0, s11  }
0x14: {  	s9 =	sadd.s32 $0xB9A00, s13;
	s11 =	sadd.s32 $0x92200, s13;
	s13 =	simm.s32 $0x3  }
.LBB2_1:
0x15: {  	[tilespmem:s4], [sflag:$0x3] =	stream.linear.gather [hbm4b:s5+s4], $0x2800, $0x38;
	[tilespmem:$0x1CC00] =	vst v63  }
0x16: {  	_ =	swait.ge [sflag:s13], $0x2800  }
0x17: {  	[sflag:s13] =	ssyncset.done $0x0  }
0x18: {  	[sflag:s13] =	ssyncadd.s32 $0xFFFFD800  }
0x19: {  	[tilespmem:s14], [sflag:$0x3] =	stream.linear.gather [hbm4b:s6+s4], $0x2800, $0x38;
	[tilespmem:$0x1CC00] =	vst v63  }
0x1a: {  	_ =	swait.ge [sflag:s13], $0x2800  }
0x1b: {  	[sflag:s13] =	ssyncset.done $0x0  }
0x1c: {  	[sflag:s13] =	ssyncadd.s32 $0xFFFFD800  }
0x1d: {  	[spmem:s16], [sflag:s15] =	dma.local [hbm:s7], $0x13C0  }
0x1e: {  	_ =	swait.ge [sflag:s13], $0x13C0  }
0x1f: {  	[sflag:s13] =	ssyncset.done $0x0  }
0x20: {  	[sflag:s13] =	ssyncadd.s32 $0xFFFFEC40  }
0x21: {  	[spmem:s17], [sflag:s15] =	dma.local [hbm:s8], $0x13C0  }
0x22: {  	_ =	swait.ge [sflag:s13], $0x13C0  }
0x23: {  	[sflag:s13] =	ssyncset.done $0x0  }
0x24: {  	[sflag:s13] =	ssyncadd.s32 $0xFFFFEC40  }
0x25: {  	[bflag:$0x0] =	sbarrier.arrive $0xFFFF  }
0x26: {  	[tilespmem:s19], [sflag:$0x1] =	stream.indirect.gather [spmem:s2], $0x40, s4, s18, $0xb8;
	[tilespmem:$0x1CC00] =	vst v63  }
0x27: {  	_ = 	snop  }
0x28: {  	[tilespmem:s20], [sflag:$0x2] =	stream.indirect.gather [spmem:s2], $0x40, s18, s18, $0xb8;
	[tilespmem:$0x1CC00] =	vst v63  }
0x29: {  	_ =	swait.ge [sflag:s21], $0x2000  }
0x2a: {  	[sflag:s21] =	ssyncset.done $0x0  }
0x2b: {  	s0 =	simm.s32 $0x2800;
	[sflag:s21] =	ssyncadd.s32 $0xFFFFE000  }
0x2c: {  	[spmem:s3] =	stream.indirect.scatter.add.f32 [tilespmem:s19], [sflag:$0x3], $0x40, s0, s18, $0xb8;
	[tilespmem:$0x1CC00] =	vst v63  }
0x2d: {  	_ =	swait.ge [sflag:s13], $0x2000  }
0x2e: {  	[sflag:s13] =	ssyncset.done $0x0  }
0x2f: {  	s1 =	simm.s32 $0x100;
	[sflag:s13] =	ssyncadd.s32 $0xFFFFE000  }
0x30: {  	[tilespmem:s19], [sflag:$0x1] =	stream.indirect.gather [spmem:s2], $0x40, s1, s18, $0xb8;
	[tilespmem:$0x1CC00] =	vst v63  }
0x31: {  	_ =	swait.ge [sflag:s22], $0x2000  }
0x32: {  	[sflag:s22] =	ssyncset.done $0x0  }
0x33: {  	s1 =	simm.s32 $0x2880;
	[sflag:s22] =	ssyncadd.s32 $0xFFFFE000  }
0x34: {  	[spmem:s3] =	stream.indirect.scatter.add.f32 [tilespmem:s20], [sflag:$0x3], $0x40, s1, s18, $0xb8;
	[tilespmem:$0x1CC00] =	vst v63  }
0x35: {  	_ =	swait.ge [sflag:s13], $0x2000  }
0x36: {  	[sflag:s13] =	ssyncset.done $0x0  }
0x37: {  	s31 =	simm.s32 $0x400;
	s0 =	simm.s32 $0x180;
	[sflag:s13] =	ssyncadd.s32 $0xFFFFE000  }
.LBB2_2:
0x38: {  	[tilespmem:s20], [sflag:$0x2] =	stream.indirect.gather [spmem:s2], $0x40, s0, s18, $0xb8;
	[tilespmem:$0x1CC00] =	vst v63  }
0x39: {  	s0 =	smov.u32 s31  }
0x3a: {  	p0 =	sne.s32 s31, $0x9400;
	s31 =	sadd.s32 $0x400, s31;
	_ =	swait.ge [sflag:s21], $0x2000  }
0x3b: {  	s0 =	sshra.s32 s0, $0x2;
	[sflag:s21] =	ssyncset.done $0x0  }
0x3c: {  	s1 =	sadd.s32 $0x2800, s0;
	[sflag:s21] =	ssyncadd.s32 $0xFFFFE000  }
0x3d: {  	[spmem:s3] =	stream.indirect.scatter.add.f32 [tilespmem:s19], [sflag:$0x3], $0x40, s1, s18, $0xb8;
	[tilespmem:$0x1CC00] =	vst v63  }
0x3e: {  	_ =	swait.ge [sflag:s13], $0x2000  }
0x3f: {  	[sflag:s13] =	ssyncset.done $0x0  }
0x40: {  	s1 =	sadd.s32 $0x100, s0;
	[sflag:s13] =	ssyncadd.s32 $0xFFFFE000  }
0x41: {  	[tilespmem:s19], [sflag:$0x1] =	stream.indirect.gather [spmem:s2], $0x40, s1, s18, $0xb8;
	[tilespmem:$0x1CC00] =	vst v63  }
0x42: {  	_ =	swait.ge [sflag:s22], $0x2000  }
0x43: {  	[sflag:s22] =	ssyncset.done $0x0  }
.Ltmp0:
0x44: {  	s1 =	sadd.s32 $0x2880, s0;
	[sflag:s22] =	ssyncadd.s32 $0xFFFFE000;
	(pc) =	sbr.rel @p0 .LBB2_2-.Ltmp0, $4  }
0x45: {  	[spmem:s3] =	stream.indirect.scatter.add.f32 [tilespmem:s20], [sflag:$0x3], $0x40, s1, s18, $0xb8;
	[tilespmem:$0x1CC00] =	vst v63  }
0x46: {  	_ =	swait.ge [sflag:s13], $0x2000  }
0x47: {  	[sflag:s13] =	ssyncset.done $0x0  }
0x48: {  	s0 =	sadd.s32 $0x180, s0;
	[sflag:s13] =	ssyncadd.s32 $0xFFFFE000  }
0x49: {  	[tilespmem:s20], [sflag:$0x2] =	stream.indirect.gather [spmem:s2], $0x40, s0, s18, $0xb8;
	[tilespmem:$0x1CC00] =	vst v63  }
0x4a: {  	_ =	swait.ge [sflag:s21], $0x2000  }
0x4b: {  	[sflag:s21] =	ssyncset.done $0x0  }
0x4c: {  	[sflag:s21] =	ssyncadd.s32 $0xFFFFE000  }
0x4d: {  	[spmem:s3] =	stream.indirect.scatter.add.f32 [tilespmem:s19], [sflag:$0x3], $0x40, s23, s18, $0xb8;
	[tilespmem:$0x1CC00] =	vst v63  }
0x4e: {  	_ =	swait.ge [sflag:s13], $0x2000  }
0x4f: {  	[sflag:s13] =	ssyncset.done $0x0  }
0x50: {  	[sflag:s13] =	ssyncadd.s32 $0xFFFFE000  }
0x51: {  	[tilespmem:s19], [sflag:$0x1] =	stream.indirect.gather [spmem:s2], $0x40, s24, s18, $0xb8;
	[tilespmem:$0x1CC00] =	vst v63  }
0x52: {  	_ =	swait.ge [sflag:s22], $0x2000  }
0x53: {  	[sflag:s22] =	ssyncset.done $0x0  }
0x54: {  	[sflag:s22] =	ssyncadd.s32 $0xFFFFE000  }
0x55: {  	[spmem:s3] =	stream.indirect.scatter.add.f32 [tilespmem:s20], [sflag:$0x3], $0x40, s25, s18, $0xb8;
	[tilespmem:$0x1CC00] =	vst v63  }
0x56: {  	_ =	swait.ge [sflag:s13], $0x2000  }
0x57: {  	[sflag:s13] =	ssyncset.done $0x0  }
0x58: {  	[sflag:s13] =	ssyncadd.s32 $0xFFFFE000  }
0x59: {  	[tilespmem:s20], [sflag:$0x2] =	stream.indirect.gather [spmem:s2], $0x40, s26, s18, $0xb8;
	[tilespmem:$0x1CC00] =	vst v63  }
0x5a: {  	_ =	swait.ge [sflag:s21], $0x2000  }
0x5b: {  	[sflag:s21] =	ssyncset.done $0x0  }
0x5c: {  	[sflag:s21] =	ssyncadd.s32 $0xFFFFE000  }
0x5d: {  	[spmem:s3] =	stream.indirect.scatter.add.f32 [tilespmem:s19], [sflag:$0x3], $0x40, s28, s18, $0xb8;
	[tilespmem:$0x1CC00] =	vst v63  }
0x5e: {  	_ =	swait.ge [sflag:s13], $0x2000  }
0x5f: {  	[sflag:s13] =	ssyncset.done $0x0  }
0x60: {  	[sflag:s13] =	ssyncadd.s32 $0xFFFFE000  }
0x61: {  	[tilespmem:s19], [sflag:$0x1] =	stream.indirect.gather [spmem:s2], $0x40, s26, s18, $0xb8;
	[tilespmem:$0x1CC00] =	vst v63  }
0x62: {  	_ =	swait.ge [sflag:s22], $0x2000  }
0x63: {  	[sflag:s22] =	ssyncset.done $0x0  }
0x64: {  	[sflag:s22] =	ssyncadd.s32 $0xFFFFE000  }
0x65: {  	[spmem:s3] =	stream.indirect.scatter.add.f32 [tilespmem:s20], [sflag:$0x3], $0x40, s29, s18, $0xb8;
	[tilespmem:$0x1CC00] =	vst v63  }
0x66: {  	_ =	swait.ge [sflag:s13], $0x2000  }
0x67: {  	[sflag:s13] =	ssyncset.done $0x0  }
0x68: {  	[sflag:s13] =	ssyncadd.s32 $0xFFFFE000  }
0x69: {  	[tilespmem:s20], [sflag:$0x2] =	stream.indirect.gather [spmem:s2], $0x40, s26, s18, $0xb8;
	[tilespmem:$0x1CC00] =	vst v63  }
0x6a: {  	_ =	swait.ge [sflag:s21], $0x2000  }
0x6b: {  	[sflag:s21] =	ssyncset.done $0x0  }
0x6c: {  	[sflag:s21] =	ssyncadd.s32 $0xFFFFE000  }
0x6d: {  	_ =	swait.ge [sflag:s22], $0x2000  }
0x6e: {  	[sflag:s22] =	ssyncset.done $0x0  }
0x6f: {  	[sflag:s22] =	ssyncadd.s32 $0xFFFFE000  }
0x70: {  	[bflag:$0x0] =	sbarrier.arrive $0xFFFF  }
0x71: {  	[hbm:s9], [sflag:s15] =	dma.local [spmem:s17], $0x13C0  }
0x72: {  	_ =	swait.ge [sflag:s13], $0x13C0  }
0x73: {  	[sflag:s13] =	ssyncset.done $0x0  }
0x74: {  	[sflag:s13] =	ssyncadd.s32 $0xFFFFEC40  }
0x75: {  	[spmem:s16], [sflag:s15] =	dma.local [hbm:s10], $0x13C0  }
0x76: {  	_ =	swait.ge [sflag:s13], $0x13C0  }
0x77: {  	[sflag:s13] =	ssyncset.done $0x0  }
0x78: {  	[sflag:s13] =	ssyncadd.s32 $0xFFFFEC40  }
0x79: {  	[spmem:s17], [sflag:s15] =	dma.local [hbm:s8], $0x13C0  }
0x7a: {  	_ =	swait.ge [sflag:s13], $0x13C0  }
0x7b: {  	[sflag:s13] =	ssyncset.done $0x0  }
0x7c: {  	[sflag:s13] =	ssyncadd.s32 $0xFFFFEC40  }
0x7d: {  	s1 =	simm.s32 $0x0;
	[bflag:$0x0] =	sbarrier.arrive $0xFFFF  }
0x7e: {  	[tilespmem:s19], [sflag:$0x1] =	stream.indirect.gather [spmem:s2], $0x40, s1, s18, $0xb8;
	[tilespmem:$0x1CC00] =	vst v63  }
0x7f: {  	_ = 	snop  }
0x80: {  	[tilespmem:s20], [sflag:$0x2] =	stream.indirect.gather [spmem:s2], $0x40, s18, s18, $0xb8;
	[tilespmem:$0x1CC00] =	vst v63  }
0x81: {  	_ =	swait.ge [sflag:s21], $0x2000  }
0x82: {  	[sflag:s21] =	ssyncset.done $0x0  }
0x83: {  	s1 =	simm.s32 $0x2800;
	[sflag:s21] =	ssyncadd.s32 $0xFFFFE000  }
0x84: {  	[spmem:s3] =	stream.indirect.scatter.add.f32 [tilespmem:s19], [sflag:$0x3], $0x40, s1, s18, $0xb8;
	[tilespmem:$0x1CC00] =	vst v63  }
0x85: {  	_ =	swait.ge [sflag:s13], $0x2000  }
0x86: {  	[sflag:s13] =	ssyncset.done $0x0  }
0x87: {  	s1 =	simm.s32 $0x100;
	[sflag:s13] =	ssyncadd.s32 $0xFFFFE000  }
0x88: {  	[tilespmem:s19], [sflag:$0x1] =	stream.indirect.gather [spmem:s2], $0x40, s1, s18, $0xb8;
	[tilespmem:$0x1CC00] =	vst v63  }
0x89: {  	_ =	swait.ge [sflag:s22], $0x2000  }
0x8a: {  	[sflag:s22] =	ssyncset.done $0x0  }
0x8b: {  	s1 =	simm.s32 $0x2880;
	[sflag:s22] =	ssyncadd.s32 $0xFFFFE000  }
0x8c: {  	[spmem:s3] =	stream.indirect.scatter.add.f32 [tilespmem:s20], [sflag:$0x3], $0x40, s1, s18, $0xb8;
	[tilespmem:$0x1CC00] =	vst v63  }
0x8d: {  	_ =	swait.ge [sflag:s13], $0x2000  }
0x8e: {  	[sflag:s13] =	ssyncset.done $0x0  }
0x8f: {  	s31 =	simm.s32 $0x400;
	s0 =	simm.s32 $0x180;
	[sflag:s13] =	ssyncadd.s32 $0xFFFFE000  }
.LBB2_4:
0x90: {  	[tilespmem:s20], [sflag:$0x2] =	stream.indirect.gather [spmem:s2], $0x40, s0, s18, $0xb8;
	[tilespmem:$0x1CC00] =	vst v63  }
0x91: {  	s0 =	smov.u32 s31  }
0x92: {  	p0 =	sne.s32 s31, $0x9400;
	s31 =	sadd.s32 $0x400, s31;
	_ =	swait.ge [sflag:s21], $0x2000  }
0x93: {  	s0 =	sshra.s32 s0, $0x2;
	[sflag:s21] =	ssyncset.done $0x0  }
0x94: {  	s1 =	sadd.s32 $0x2800, s0;
	[sflag:s21] =	ssyncadd.s32 $0xFFFFE000  }
0x95: {  	[spmem:s3] =	stream.indirect.scatter.add.f32 [tilespmem:s19], [sflag:$0x3], $0x40, s1, s18, $0xb8;
	[tilespmem:$0x1CC00] =	vst v63  }
0x96: {  	_ =	swait.ge [sflag:s13], $0x2000  }
0x97: {  	[sflag:s13] =	ssyncset.done $0x0  }
0x98: {  	s1 =	sadd.s32 $0x100, s0;
	[sflag:s13] =	ssyncadd.s32 $0xFFFFE000  }
0x99: {  	[tilespmem:s19], [sflag:$0x1] =	stream.indirect.gather [spmem:s2], $0x40, s1, s18, $0xb8;
	[tilespmem:$0x1CC00] =	vst v63  }
0x9a: {  	_ =	swait.ge [sflag:s22], $0x2000  }
0x9b: {  	[sflag:s22] =	ssyncset.done $0x0  }
.Ltmp1:
0x9c: {  	s1 =	sadd.s32 $0x2880, s0;
	[sflag:s22] =	ssyncadd.s32 $0xFFFFE000;
	(pc) =	sbr.rel @p0 .LBB2_4-.Ltmp1, $4  }
0x9d: {  	[spmem:s3] =	stream.indirect.scatter.add.f32 [tilespmem:s20], [sflag:$0x3], $0x40, s1, s18, $0xb8;
	[tilespmem:$0x1CC00] =	vst v63  }
0x9e: {  	_ =	swait.ge [sflag:s13], $0x2000  }
0x9f: {  	[sflag:s13] =	ssyncset.done $0x0  }
0xa0: {  	s0 =	sadd.s32 $0x180, s0;
	[sflag:s13] =	ssyncadd.s32 $0xFFFFE000  }
0xa1: {  	[tilespmem:s20], [sflag:$0x2] =	stream.indirect.gather [spmem:s2], $0x40, s0, s18, $0xb8;
	[tilespmem:$0x1CC00] =	vst v63  }
0xa2: {  	_ =	swait.ge [sflag:s21], $0x2000  }
0xa3: {  	[sflag:s21] =	ssyncset.done $0x0  }
0xa4: {  	[sflag:s21] =	ssyncadd.s32 $0xFFFFE000  }
0xa5: {  	[spmem:s3] =	stream.indirect.scatter.add.f32 [tilespmem:s19], [sflag:$0x3], $0x40, s23, s18, $0xb8;
	[tilespmem:$0x1CC00] =	vst v63  }
0xa6: {  	_ =	swait.ge [sflag:s13], $0x2000  }
0xa7: {  	[sflag:s13] =	ssyncset.done $0x0  }
0xa8: {  	[sflag:s13] =	ssyncadd.s32 $0xFFFFE000  }
0xa9: {  	[tilespmem:s19], [sflag:$0x1] =	stream.indirect.gather [spmem:s2], $0x40, s24, s18, $0xb8;
	[tilespmem:$0x1CC00] =	vst v63  }
0xaa: {  	_ =	swait.ge [sflag:s22], $0x2000  }
0xab: {  	[sflag:s22] =	ssyncset.done $0x0  }
0xac: {  	[sflag:s22] =	ssyncadd.s32 $0xFFFFE000  }
0xad: {  	[spmem:s3] =	stream.indirect.scatter.add.f32 [tilespmem:s20], [sflag:$0x3], $0x40, s25, s18, $0xb8;
	[tilespmem:$0x1CC00] =	vst v63  }
0xae: {  	_ =	swait.ge [sflag:s13], $0x2000  }
0xaf: {  	[sflag:s13] =	ssyncset.done $0x0  }
0xb0: {  	[sflag:s13] =	ssyncadd.s32 $0xFFFFE000  }
0xb1: {  	[tilespmem:s20], [sflag:$0x2] =	stream.indirect.gather [spmem:s2], $0x40, s26, s18, $0xb8;
	[tilespmem:$0x1CC00] =	vst v63  }
0xb2: {  	_ =	swait.ge [sflag:s21], $0x2000  }
0xb3: {  	[sflag:s21] =	ssyncset.done $0x0  }
0xb4: {  	[sflag:s21] =	ssyncadd.s32 $0xFFFFE000  }
0xb5: {  	[spmem:s3] =	stream.indirect.scatter.add.f32 [tilespmem:s19], [sflag:$0x3], $0x40, s28, s18, $0xb8;
	[tilespmem:$0x1CC00] =	vst v63  }
0xb6: {  	_ =	swait.ge [sflag:s13], $0x2000  }
0xb7: {  	[sflag:s13] =	ssyncset.done $0x0  }
0xb8: {  	[sflag:s13] =	ssyncadd.s32 $0xFFFFE000  }
0xb9: {  	[tilespmem:s19], [sflag:$0x1] =	stream.indirect.gather [spmem:s2], $0x40, s26, s18, $0xb8;
	[tilespmem:$0x1CC00] =	vst v63  }
0xba: {  	_ =	swait.ge [sflag:s22], $0x2000  }
0xbb: {  	[sflag:s22] =	ssyncset.done $0x0  }
0xbc: {  	[sflag:s22] =	ssyncadd.s32 $0xFFFFE000  }
0xbd: {  	[spmem:s3] =	stream.indirect.scatter.add.f32 [tilespmem:s20], [sflag:$0x3], $0x40, s29, s18, $0xb8;
	[tilespmem:$0x1CC00] =	vst v63  }
0xbe: {  	_ =	swait.ge [sflag:s13], $0x2000  }
0xbf: {  	[sflag:s13] =	ssyncset.done $0x0  }
0xc0: {  	[sflag:s13] =	ssyncadd.s32 $0xFFFFE000  }
0xc1: {  	[tilespmem:s20], [sflag:$0x2] =	stream.indirect.gather [spmem:s2], $0x40, s26, s18, $0xb8;
	[tilespmem:$0x1CC00] =	vst v63  }
0xc2: {  	_ =	swait.ge [sflag:s21], $0x2000  }
0xc3: {  	[sflag:s21] =	ssyncset.done $0x0  }
0xc4: {  	[sflag:s21] =	ssyncadd.s32 $0xFFFFE000  }
0xc5: {  	_ =	swait.ge [sflag:s22], $0x2000  }
0xc6: {  	s30 =	sadd.s32 $0x1, s30;
	[sflag:s22] =	ssyncset.done $0x0  }
0xc7: {  	p0 =	sne.s32 s30, s12;
	[sflag:s22] =	ssyncadd.s32 $0xFFFFE000  }
.Ltmp2:
0xc8: {  	[bflag:$0x0] =	sbarrier.arrive $0xFFFF;
	(pc) =	sbr.rel @p0 .LBB2_1-.Ltmp2, $4  }
0xc9: {  	[hbm:s11], [sflag:s15] =	dma.local [spmem:s17], $0x13C0  }
0xca: {  	_ =	swait.ge [sflag:s13], $0x13C0  }
0xcb: {  	[sflag:s13] =	ssyncset.done $0x0  }
0xcc: {  	[sflag:s13] =	ssyncadd.s32 $0xFFFFEC40  }
0xcd: {  	_ =	sfence.sel $0x180000  }
0xce: {  	[bflag:$0x0] =	sbarrier.arrive $0xFFFF  }
0xcf: {  	_ =	strace $0x9000004A  }
0xd0: {  	s0 =	stileid.u32;
	[bflag:$0x2] =	sbarrier.arrive $0xFFFF  }
0xd1: {  	p0 =	sne.s32 s0, $0x0;
	s0 =	rddreg [dreg:$0x4]  }
0xd2: {  	s0 =	sadd.s32 @!p0 $0x100000, s0  }
0xd3: {  	[sflag:s0] =	ssyncadd.tile.s32 @!p0 $0x1;
	_ =	shalt  }
.Lfunc_end2:
_tile_overlayer_lowered:
.L_overlay_start_2:
0xd4: {  	(tag) =	ssettag $0x2  }
0xd5: {  	s0 =	rddreg [dreg:$0x0];
	s2 =	stileid.u32  }
0xd6: {  	s1 =	rddreg [dreg:$0x1];
	p0 =	sne.s32 s2, $0x0  }
0xd7: {  	s3 =	rddreg [dreg:$0x2];
	[bflag:$0x3] =	sbarrier.arrive $0xFFFF;
	s2 =	simm.s32 @!p0 $0x1C03  }
0xd8: {  	[timem:s3], [sflag:s2] =	dma.local @!p0 [hbm:s0], s1  }
0xd9: {  	s0 =	simm.s32 @!p0 $0x3  }
0xda: {  	_ =	swait.ge @!p0 [sflag:s0], s1  }
0xdb: {  	s1 =	ssub.s32 @!p0 $0x0, s1;
	[sflag:s0] =	ssyncset.done @!p0 $0x0  }
0xdc: {  	[sflag:s0] =	ssyncadd.s32 @!p0 s1  }
0xdd: {  	[bflag:$0x3] =	sbarrier.arrive $0xFFFF  }
0xde: {  	_ =	shalt  }

// kernel: kernel.15.cloned.1.call-start
scs
__scs_entry_jumppad:
0x0: {  	(pc) =	sbr.rel $0x88, $3  }
0x1: {  	(tag) =	ssettag $0x0;
	lr =	simm.s32 $0x1  }
0x2: {  	[smem:$0x3F99] =	sst lr;
	_ =	strace $0xD0000000  }
0x3: {  	_ = 	snop  }
0x4: {  	_ = 	snop  }
0x5: {  	_ = 	snop  }
0x6: {  	_ = 	snop  }
0x7: {  	_ = 	snop  }
__scs_overlays_trampoline_lowered:
0x8: {  	[smem:$0x3FA8] =	sst s0  }
0x9: {  	[smem:$0x3FA9] =	sst s1  }
0xa: {  	[smem:$0x3FAA] =	sst s2  }
0xb: {  	[smem:$0x3FAB] =	sst s3  }
0xc: {  	[smem:$0x3FAC] =	sst s4  }
0xd: {  	[smem:$0x3FAD] =	sst s5  }
0xe: {  	[smem:$0x3FAE] =	sst s6  }
0xf: {  	[smem:$0x3FAF] =	sst s7  }
0x10: {  	[smem:$0x3FB0] =	sst s8  }
0x11: {  	[smem:$0x3FB1] =	sst s9;
	s0 =	simm.s32 @!p0 $0x0  }
0x12: {  	s1 =	sld [smem:$0x3F97];
	s0 =	simm.s32 @p0 $0x1  }
0x13: {  	[smem:$0x3FB2] =	sst s0;
	s0 =	simm.s32 @!p1 $0x0  }
0x14: {  	s2 =	sld [smem:$0x3F96];
	s0 =	simm.s32 @p1 $0x1  }
0x15: {  	[smem:$0x3FB3] =	sst s0;
	s0 =	simm.s32 @!p2 $0x0  }
0x16: {  	s3 =	sld [smem:$0x3FDB];
	s0 =	simm.s32 @p2 $0x1  }
0x17: {  	s4 =	simm.s32 $0x1BF5;
	[smem:$0x3FB5] =	sst s0  }
0x18: {  	s0 =	sld [smem:$0x3F98];
	_ =	swait.ge [sflag:s4], $0x0  }
0x19: {  	s7 =	sld [smem:$0x3F99]  }
0x1a: {  	s8 =	sadd.s32 $0xFFFFE003, lr  }
0x1b: {  	s9 =	sadd.s32 $0xFFFFFEF7, lr;
	s5 =	simm.s32 $0xFFFFFFFF;
	p2 =	slt.u32 s8, $0xFFFFF086  }
0x1c: {  	p1 =	slt.u32 s9, $0xF7A;
	s5 =	simm.s32 @!p2 $0x0  }
0x1d: {  	s5 =	simm.s32 @p1 $0x1;
	p0 =	seq.s32 s7, s2  }
0x1e: {  	s7 =	smul.u32 @!p0 $0xF7A, s2;
	p2 =	seq.s32 @!p0 s5, $0x0  }
0x1f: {  	s9 =	smul.u32 $0xF7A, s1;
	s8 =	simm.s32 @!p0 $0x1BF5;
	p2 =	por !p2, p0  }
0x20: {  	[sflag:s8] =	ssyncset.s32 @!p0 $0xFFFFF086;
	s6 =	sadd.s32 @!p0 s3, s7;
	s7 =	simm.s32 @!p0 $0x108  }
0x21: {  	s3 =	sadd.s32 s3, s9;
	s6 =	sadd.s32 @!p0 $0x88, s6;
	s7 =	simm.s32 @p2 $0x1082  }
0x22: {  	[simem:s7], [sflag:s8] =	dma.local @!p0 [hbm:s6], $0xF7A  }
0x23: {  	s9 =	sor.u32 $0xD0000000, s2;
	s6 =	simm.s32 $0x108;
	_ =	swait.ge @!p0 [sflag:s8], $0x0  }
0x24: {  	s3 =	sadd.s32 $0x88, s3;
	s6 =	simm.s32 @!p1 $0x1082;
	[sflag:s4] =	ssyncset.s32 $0xFFFFF086  }
0x25: {  	[simem:s6], [sflag:s4] =	dma.local [hbm:s3], $0xF7A  }
0x26: {  	[smem:$0x3F99] =	sst s1;
	(tag) =	ssettag s2;
	_ =	strace s9  }
0x27: {  	s1 =	sld [smem:$0x3FA9]  }
0x28: {  	s2 =	sld [smem:$0x3FAA]  }
0x29: {  	s4 =	sld [smem:$0x3FAC]  }
0x2a: {  	p0 =	seq.s32 s5, $0x0;
	s5 =	sld [smem:$0x3FAD]  }
0x2b: {  	s6 =	sld [smem:$0x3FAE]  }
0x2c: {  	s7 =	sld [smem:$0x3FAF]  }
0x2d: {  	s3 =	simm.s32 $0x108;
	s8 =	sld [smem:$0x3FB0]  }
0x2e: {  	s3 =	simm.s32 @!p0 $0x1082;
	s9 =	sld [smem:$0x3FB1]  }
0x2f: {  	lr =	sadd.s32 s0, s3;
	s0 =	sld [smem:$0x3FA8]  }
0x30: {  	s3 =	sld [smem:$0x3FAB]  }
0x31: {  	[smem:$0x3FB4] =	sst s10  }
0x32: {  	s10 =	sld [smem:$0x3FB2];
	_ =	sdelay $0x3  }
0x33: {  	p0 =	seq.s32 s10, $0x1;
	s10 =	sld [smem:$0x3FB4];
	_ =	sdelay $0x3  }
0x34: {  	[smem:$0x3FB4] =	sst s10  }
0x35: {  	s10 =	sld [smem:$0x3FB3];
	_ =	sdelay $0x3  }
0x36: {  	p1 =	seq.s32 s10, $0x1;
	s10 =	sld [smem:$0x3FB4];
	_ =	sdelay $0x3  }
0x37: {  	[smem:$0x3FB4] =	sst s10  }
0x38: {  	s10 =	sld [smem:$0x3FB5]  }
0x39: {  	_ = 	snop;
	(pc) =	sbr.ind lr, $3  }
0x3a: {  	_ = 	snop  }
0x3b: {  	_ = 	snop  }
0x3c: {  	p2 =	seq.s32 s10, $0x1;
	s10 =	sld [smem:$0x3FB4]  }
0x3d: {  	_ =	shalt  }
0x3e: {  	_ =	shalt  }
0x3f: {  	_ =	shalt  }
0x40: {  	_ =	shalt  }
0x41: {  	_ =	shalt  }
0x42: {  	_ =	shalt  }
0x43: {  	_ =	shalt  }
0x44: {  	_ =	shalt  }
0x45: {  	_ =	shalt  }
0x46: {  	_ =	shalt  }
0x47: {  	_ =	shalt  }
0x48: {  	_ =	shalt  }
0x49: {  	_ =	shalt  }
0x4a: {  	_ =	shalt  }
0x4b: {  	_ =	shalt  }
0x4c: {  	_ =	shalt  }
0x4d: {  	_ =	shalt  }
0x4e: {  	_ =	shalt  }
0x4f: {  	_ =	shalt  }
0x50: {  	_ =	shalt  }
0x51: {  	_ =	shalt  }
0x52: {  	_ =	shalt  }
0x53: {  	_ =	shalt  }
0x54: {  	_ =	shalt  }
0x55: {  	_ =	shalt  }
0x56: {  	_ =	shalt  }
0x57: {  	_ =	shalt  }
0x58: {  	_ =	shalt  }
0x59: {  	_ =	shalt  }
0x5a: {  	_ =	shalt  }
0x5b: {  	_ =	shalt  }
0x5c: {  	_ =	shalt  }
0x5d: {  	_ =	shalt  }
0x5e: {  	_ =	shalt  }
0x5f: {  	_ =	shalt  }
0x60: {  	_ =	shalt  }
0x61: {  	_ =	shalt  }
0x62: {  	_ =	shalt  }
0x63: {  	_ =	shalt  }
0x64: {  	_ =	shalt  }
0x65: {  	_ =	shalt  }
0x66: {  	_ =	shalt  }
0x67: {  	_ =	shalt  }
0x68: {  	_ =	shalt  }
0x69: {  	_ =	shalt  }
0x6a: {  	_ =	shalt  }
0x6b: {  	_ =	shalt  }
0x6c: {  	_ =	shalt  }
0x6d: {  	_ =	shalt  }
0x6e: {  	_ =	shalt  }
0x6f: {  	_ =	shalt  }
0x70: {  	_ =	shalt  }
0x71: {  	_ =	shalt  }
0x72: {  	_ =	shalt  }
0x73: {  	_ =	shalt  }
0x74: {  	_ =	shalt  }
0x75: {  	_ =	shalt  }
0x76: {  	_ =	shalt  }
0x77: {  	_ =	shalt  }
0x78: {  	_ =	shalt  }
0x79: {  	_ =	shalt  }
0x7a: {  	_ =	shalt  }
0x7b: {  	_ =	shalt  }
0x7c: {  	_ =	shalt  }
0x7d: {  	_ =	shalt  }
0x7e: {  	_ =	shalt  }
0x7f: {  	_ =	shalt  }
0x80: {  	_ =	shalt  }
0x81: {  	_ =	shalt  }
0x82: {  	_ =	shalt  }
0x83: {  	_ =	shalt  }
0x84: {  	_ =	shalt  }
0x85: {  	_ =	shalt  }
0x86: {  	_ =	shalt  }
0x87: {  	_ =	shalt  }
.Lfunc_end0:
.L_simem_size_0:
called_computation.2_lowered:
.L_overlay_start_0:
0x88: {  	s2 =	sld [smem:$0x3FD9]  }
0x89: {  	s3 =	sld [smem:$0x3FFE];
	_ =	sdelay $0x1  }
0x8a: {  	s1 =	srdreg.scid  }
0x8b: {  	s0 =	sand.u32 $0x1, s1  }
0x8c: {  	s17 =	sshll.u32 s0, $0xA;
	s2 =	sadd.s32 s3, s2  }
0x8d: {  	s2 =	sadd.s32 s2, s17  }
0x8e: {  	[smem:$0x3FC0] =	sst s2  }
0x8f: {  	_ = 	snop  }
0x90: {  	s2 =	sld [smem:$0x3FD0];
	(tm) =	ssettm $0x1  }
0x91: {  	s18 =	sld [smem:$0x3FFB];
	_ =	sdelay $0x3  }
0x92: {  	_ =	strace s18  }
0x93: {  	s3 =	sld [smem:$0x3FFC];
	_ =	sdelay $0x3  }
0x94: {  	_ =	strace s3  }
0x95: {  	s3 =	sld [smem:$0x3FFD];
	_ =	sdelay $0x3  }
0x96: {  	_ =	strace s3  }
0x97: {  	_ =	strace $0x8FFFFFFF  }
0x98: {  	s19 =	sld [smem:$0x3FDB];
	_ =	sdelay $0x1  }
0x99: {  	s4 =	simm.s32 $_scs_section_size  }
0x9a: {  	s5 =	simm.s32 $_size__tile_overlayer_lowered;
	s6 =	simm.s32 $_tile_overlayer_lowered  }
0x9b: {  	s22 =	simm.s32 $0x1BFF;
	s21 =	sshll.u32 s6, $0x1;
	s3 =	sadd.s32 s4, s19  }
0x9c: {  	s7 =	simm.s32 $0x0;
	s20 =	sshll.u32 s5, $0x1;
	s5 =	sadd.s32 s21, s3  }
0x9d: {  	[timem:s7], [sflag:s22] =	dma.local [hbm:s5], s20  }
0x9e: {  	_ =	swait.ge [sflag:s22], s20  }
0x9f: {  	s4 =	ssub.s32 $0x0, s20;
	[sflag:s22] =	ssyncset.done $0x0  }
0xa0: {  	[sflag:s22] =	ssyncadd.s32 s4;
	_ =	sdelay $0x1  }
0xa1: {  	s23 =	simm.s32 $0x1B8B  }
0xa2: {  	_ =	swait.ge [sflag:s23], $0x1  }
0xa3: {  	[sflag:s23] =	ssyncset.done $0x0  }
0xa4: {  	s25 =	simm.s32 $0x1B8E;
	s24 =	sld [smem:$0x3FFE];
	[sflag:s23] =	ssyncadd.s32 $0xFFFFFFFF  }
0xa5: {  	s26 =	simm.s32 $execute0_lowered;
	[smem:$0x3FD2] =	sst s25  }
0xa6: {  	s5 =	sshll.u32 s26, $0x1;
	_ =	strace $0x8000004C;
	[dreg:$0x1] =	wrdreg $0xFFFFFFFF  }
0xa7: {  	s28 =	simm.s32 $_size_execute0_lowered;
	s3 =	sadd.s32 s3, s5;
	[dreg:$0x0] =	wrdreg $0x0  }
0xa8: {  	s5 =	sshll.u32 s28, $0x1;
	[dreg:$0x2] =	wrdreg s3  }
0xa9: {  	[dreg:$0x3] =	wrdreg s5  }
0xaa: {  	[dreg:$0x4] =	wrdreg $0xC0  }
0xab: {  	_ =	task [dreg:s7], $0x5FFFF  }
0xac: {  	[dreg:$0x1] =	wrdreg $0xFFFFFFFF  }
0xad: {  	[dreg:$0x0] =	wrdreg $0x60  }
0xae: {  	[dreg:$0x2] =	wrdreg s2  }
0xaf: {  	[dreg:$0x3] =	wrdreg s24  }
0xb0: {  	[dreg:$0x4] =	wrdreg $0x90000  }
0xb1: {  	[dreg:$0x5] =	wrdreg $0x12E000  }
0xb2: {  	[dreg:$0x6] =	wrdreg $0x9  }
0xb3: {  	_ =	task.clear_ibuf [dreg:s7], $0x7FFFF;
	_ =	strace $0x9000004C  }
0xb4: {  	s29 =	simm.s32 $0x9;
	_ =	strace $0x8000004E  }
0xb5: {  	_ =	swait.ge [sflag:s29], $0x1  }
0xb6: {  	[sflag:s29] =	ssyncadd.s32 $0xFFFFFFFF  }
0xb7: {  	_ =	strace $0x9000004E  }
0xb8: {  	_ =	sfence  }
0xb9: {  	s30 =	sld [smem:$0x0];
	_ =	sdelay $0x2  }
0xba: {  	s31 =	sshll.u32 s1, $0xD;
	s1 =	sshrl.u32 s1, $0x2  }
0xbb: {  	s3 =	sand.u32 $0x4000, s31;
	s1 =	sadd.s32 s1, s30  }
0xbc: {  	s0 =	sor.u32 s3, s0;
	s1 =	sshll.u32 s1, $0x11  }
0xbd: {  	s0 =	sor.u32 s1, s0  }
0xbe: {  	s0 =	sadd.s32 $0x8F2B, s0  }
0xbf: {  	[sflag:s0] =	ssyncadd.remote.s32 $0x1  }
0xc0: {  	_ =	sfence.sel $0xFFFF  }
0xc1: {  	[dreg:$0x0] =	wrdreg $0xFFFFFFFF;
	(pc) =	sbr.abs _section_cstart, $3  }
0xc2: {  	[dreg:$0x1] =	wrdreg $0xFFFFFFFF  }
0xc3: {  	_ =	task.clear_ibuf [dreg:s7], $0x2FFFF;
	_ =	strace $0x9FFFFFFF  }
0xc4: {  	(tm) =	ssettm $0x7FFFFFFF  }
0xc5: {  	_ =	shalt  }
tec
execute0_lowered:
.L_overlay_start_1:
0x0: {  	(tag) =	ssettag $0x1  }
0x1: {  	s0 =	rddreg [dreg:$0x0]  }
0x2: {  	s5 =	rddreg [dreg:$0x1]  }
0x3: {  	s2 =	rddreg [dreg:$0x2]  }
0x4: {  	s3 =	rddreg [dreg:$0x3];
	s1 =	stileid.u32  }
0x5: {  	s4 =	srdreg.scid;
	s18 =	simm.s32 $0x80;
	s19 =	simm.s32 $0x5000  }
0x6: {  	s20 =	simm.s32 $0x7000;
	s21 =	simm.s32 $0x1;
	s22 =	simm.s32 $0x2  }
0x7: {  	s23 =	simm.s32 $0x4E00;
	s24 =	simm.s32 $0x2700;
	s25 =	simm.s32 $0x4E80  }
0x8: {  	s28 =	simm.s32 $0x4F00;
	s29 =	simm.s32 $0x4F80;
	s30 =	simm.s32 $0x0  }
0x9: {  	s8 =	smul.u32 $0x9E00, s1;
	s6 =	sand.u32 $0x1, s4;
	s4 =	simm.s32 $0x0  }
0xa: {  	s9 =	smul.u32 $0x278, s1;
	s15 =	sshll.u32 s1, $0x6;
	s7 =	sshll.u32 s6, $0x4  }
0xb: {  	[smem:$0x7FF] =	sst s4;
	s10 =	smul.u32 $0x2780, s6;
	s6 =	ssub.s32 $0x2, s6  }
0xc: {  	s15 =	sor.u32 $0x1C03, s15;
	s7 =	sor.u32 s1, s7;
	_ =	strace $0x8000004D  }
0xd: {  	s11 =	sshrl.u32 s8, $0x3;
	s26 =	sshrl.u32 s6, $0x1;
	s16 =	sadd.s32 s8, s2  }
0xe: {  	s31 =	sadd.s32 s8, s3;
	s7 =	smul.u32 $0x500, s7;
	s12 =	sadd.s32 s11, s5  }
0xf: {  	s9 =	sadd.s32 s9, s10;
	s14 =	ssub.s32 s6, s26;
	s16 =	sshrl.u32 s16, $0x3  }
0x10: {  	s17 =	sshrl.u32 s31, $0x3;
	s26 =	simm.s32 $0x2780;
	s9 =	sshll.u32 s9, $0x3  }
0x11: {  	s8 =	sadd.s32 $0x7E600, s12;
	s10 =	sadd.s32 $0x6AA00, s12;
	s12 =	smax.u32 s14, $0x1  }
0x12: {  	s14 =	simm.s32 $0x2800;
	s7 =	sadd.s32 s7, s5;
	s13 =	sadd.s32 s9, s5  }
0x13: {  	s5 =	sadd.s32 $0x11A00, s7;
	s6 =	sadd.s32 $0x2800, s7;
	s7 =	sadd.s32 s0, s11  }
0x14: {  	s9 =	sadd.s32 $0xB9A00, s13;
	s11 =	sadd.s32 $0x92200, s13;
	s13 =	simm.s32 $0x3  }
.LBB2_1:
0x15: {  	[tilespmem:s4], [sflag:$0x3] =	stream.linear.gather [hbm4b:s5+s4], $0x2800, $0x38;
	[tilespmem:$0x1CC00] =	vst v63  }
0x16: {  	_ =	swait.ge [sflag:s13], $0x2800  }
0x17: {  	[sflag:s13] =	ssyncset.done $0x0  }
0x18: {  	[sflag:s13] =	ssyncadd.s32 $0xFFFFD800  }
0x19: {  	[tilespmem:s14], [sflag:$0x3] =	stream.linear.gather [hbm4b:s6+s4], $0x2800, $0x38;
	[tilespmem:$0x1CC00] =	vst v63  }
0x1a: {  	_ =	swait.ge [sflag:s13], $0x2800  }
0x1b: {  	[sflag:s13] =	ssyncset.done $0x0  }
0x1c: {  	[sflag:s13] =	ssyncadd.s32 $0xFFFFD800  }
0x1d: {  	[spmem:s16], [sflag:s15] =	dma.local [hbm:s7], $0x13C0  }
0x1e: {  	_ =	swait.ge [sflag:s13], $0x13C0  }
0x1f: {  	[sflag:s13] =	ssyncset.done $0x0  }
0x20: {  	[sflag:s13] =	ssyncadd.s32 $0xFFFFEC40  }
0x21: {  	[spmem:s17], [sflag:s15] =	dma.local [hbm:s8], $0x13C0  }
0x22: {  	_ =	swait.ge [sflag:s13], $0x13C0  }
0x23: {  	[sflag:s13] =	ssyncset.done $0x0  }
0x24: {  	[sflag:s13] =	ssyncadd.s32 $0xFFFFEC40  }
0x25: {  	[bflag:$0x0] =	sbarrier.arrive $0xFFFF  }
0x26: {  	[tilespmem:s19], [sflag:$0x1] =	stream.indirect.gather [spmem:s2], $0x40, s4, s18, $0xb8;
	[tilespmem:$0x1CC00] =	vst v63  }
0x27: {  	_ = 	snop  }
0x28: {  	[tilespmem:s20], [sflag:$0x2] =	stream.indirect.gather [spmem:s2], $0x40, s18, s18, $0xb8;
	[tilespmem:$0x1CC00] =	vst v63  }
0x29: {  	_ =	swait.ge [sflag:s21], $0x2000  }
0x2a: {  	[sflag:s21] =	ssyncset.done $0x0  }
0x2b: {  	s0 =	simm.s32 $0x2800;
	[sflag:s21] =	ssyncadd.s32 $0xFFFFE000  }
0x2c: {  	[spmem:s3] =	stream.indirect.scatter.add.f32 [tilespmem:s19], [sflag:$0x3], $0x40, s0, s18, $0xb8;
	[tilespmem:$0x1CC00] =	vst v63  }
0x2d: {  	_ =	swait.ge [sflag:s13], $0x2000  }
0x2e: {  	[sflag:s13] =	ssyncset.done $0x0  }
0x2f: {  	s1 =	simm.s32 $0x100;
	[sflag:s13] =	ssyncadd.s32 $0xFFFFE000  }
0x30: {  	[tilespmem:s19], [sflag:$0x1] =	stream.indirect.gather [spmem:s2], $0x40, s1, s18, $0xb8;
	[tilespmem:$0x1CC00] =	vst v63  }
0x31: {  	_ =	swait.ge [sflag:s22], $0x2000  }
0x32: {  	[sflag:s22] =	ssyncset.done $0x0  }
0x33: {  	s1 =	simm.s32 $0x2880;
	[sflag:s22] =	ssyncadd.s32 $0xFFFFE000  }
0x34: {  	[spmem:s3] =	stream.indirect.scatter.add.f32 [tilespmem:s20], [sflag:$0x3], $0x40, s1, s18, $0xb8;
	[tilespmem:$0x1CC00] =	vst v63  }
0x35: {  	_ =	swait.ge [sflag:s13], $0x2000  }
0x36: {  	[sflag:s13] =	ssyncset.done $0x0  }
0x37: {  	s31 =	simm.s32 $0x400;
	s0 =	simm.s32 $0x180;
	[sflag:s13] =	ssyncadd.s32 $0xFFFFE000  }
.LBB2_2:
0x38: {  	[tilespmem:s20], [sflag:$0x2] =	stream.indirect.gather [spmem:s2], $0x40, s0, s18, $0xb8;
	[tilespmem:$0x1CC00] =	vst v63  }
0x39: {  	s0 =	smov.u32 s31  }
0x3a: {  	p0 =	sne.s32 s31, $0x9400;
	s31 =	sadd.s32 $0x400, s31;
	_ =	swait.ge [sflag:s21], $0x2000  }
0x3b: {  	s0 =	sshra.s32 s0, $0x2;
	[sflag:s21] =	ssyncset.done $0x0  }
0x3c: {  	s1 =	sadd.s32 $0x2800, s0;
	[sflag:s21] =	ssyncadd.s32 $0xFFFFE000  }
0x3d: {  	[spmem:s3] =	stream.indirect.scatter.add.f32 [tilespmem:s19], [sflag:$0x3], $0x40, s1, s18, $0xb8;
	[tilespmem:$0x1CC00] =	vst v63  }
0x3e: {  	_ =	swait.ge [sflag:s13], $0x2000  }
0x3f: {  	[sflag:s13] =	ssyncset.done $0x0  }
0x40: {  	s1 =	sadd.s32 $0x100, s0;
	[sflag:s13] =	ssyncadd.s32 $0xFFFFE000  }
0x41: {  	[tilespmem:s19], [sflag:$0x1] =	stream.indirect.gather [spmem:s2], $0x40, s1, s18, $0xb8;
	[tilespmem:$0x1CC00] =	vst v63  }
0x42: {  	_ =	swait.ge [sflag:s22], $0x2000  }
0x43: {  	[sflag:s22] =	ssyncset.done $0x0  }
.Ltmp0:
0x44: {  	s1 =	sadd.s32 $0x2880, s0;
	[sflag:s22] =	ssyncadd.s32 $0xFFFFE000;
	(pc) =	sbr.rel @p0 .LBB2_2-.Ltmp0, $4  }
0x45: {  	[spmem:s3] =	stream.indirect.scatter.add.f32 [tilespmem:s20], [sflag:$0x3], $0x40, s1, s18, $0xb8;
	[tilespmem:$0x1CC00] =	vst v63  }
0x46: {  	_ =	swait.ge [sflag:s13], $0x2000  }
0x47: {  	[sflag:s13] =	ssyncset.done $0x0  }
0x48: {  	s0 =	sadd.s32 $0x180, s0;
	[sflag:s13] =	ssyncadd.s32 $0xFFFFE000  }
0x49: {  	[tilespmem:s20], [sflag:$0x2] =	stream.indirect.gather [spmem:s2], $0x40, s0, s18, $0xb8;
	[tilespmem:$0x1CC00] =	vst v63  }
0x4a: {  	_ =	swait.ge [sflag:s21], $0x2000  }
0x4b: {  	[sflag:s21] =	ssyncset.done $0x0  }
0x4c: {  	[sflag:s21] =	ssyncadd.s32 $0xFFFFE000  }
0x4d: {  	[spmem:s3] =	stream.indirect.scatter.add.f32 [tilespmem:s19], [sflag:$0x3], $0x40, s23, s18, $0xb8;
	[tilespmem:$0x1CC00] =	vst v63  }
0x4e: {  	_ =	swait.ge [sflag:s13], $0x2000  }
0x4f: {  	[sflag:s13] =	ssyncset.done $0x0  }
0x50: {  	[sflag:s13] =	ssyncadd.s32 $0xFFFFE000  }
0x51: {  	[tilespmem:s19], [sflag:$0x1] =	stream.indirect.gather [spmem:s2], $0x40, s24, s18, $0xb8;
	[tilespmem:$0x1CC00] =	vst v63  }
0x52: {  	_ =	swait.ge [sflag:s22], $0x2000  }
0x53: {  	[sflag:s22] =	ssyncset.done $0x0  }
0x54: {  	[sflag:s22] =	ssyncadd.s32 $0xFFFFE000  }
0x55: {  	[spmem:s3] =	stream.indirect.scatter.add.f32 [tilespmem:s20], [sflag:$0x3], $0x40, s25, s18, $0xb8;
	[tilespmem:$0x1CC00] =	vst v63  }
0x56: {  	_ =	swait.ge [sflag:s13], $0x2000  }
0x57: {  	[sflag:s13] =	ssyncset.done $0x0  }
0x58: {  	[sflag:s13] =	ssyncadd.s32 $0xFFFFE000  }
0x59: {  	[tilespmem:s20], [sflag:$0x2] =	stream.indirect.gather [spmem:s2], $0x40, s26, s18, $0xb8;
	[tilespmem:$0x1CC00] =	vst v63  }
0x5a: {  	_ =	swait.ge [sflag:s21], $0x2000  }
0x5b: {  	[sflag:s21] =	ssyncset.done $0x0  }
0x5c: {  	[sflag:s21] =	ssyncadd.s32 $0xFFFFE000  }
0x5d: {  	[spmem:s3] =	stream.indirect.scatter.add.f32 [tilespmem:s19], [sflag:$0x3], $0x40, s28, s18, $0xb8;
	[tilespmem:$0x1CC00] =	vst v63  }
0x5e: {  	_ =	swait.ge [sflag:s13], $0x2000  }
0x5f: {  	[sflag:s13] =	ssyncset.done $0x0  }
0x60: {  	[sflag:s13] =	ssyncadd.s32 $0xFFFFE000  }
0x61: {  	[tilespmem:s19], [sflag:$0x1] =	stream.indirect.gather [spmem:s2], $0x40, s26, s18, $0xb8;
	[tilespmem:$0x1CC00] =	vst v63  }
0x62: {  	_ =	swait.ge [sflag:s22], $0x2000  }
0x63: {  	[sflag:s22] =	ssyncset.done $0x0  }
0x64: {  	[sflag:s22] =	ssyncadd.s32 $0xFFFFE000  }
0x65: {  	[spmem:s3] =	stream.indirect.scatter.add.f32 [tilespmem:s20], [sflag:$0x3], $0x40, s29, s18, $0xb8;
	[tilespmem:$0x1CC00] =	vst v63  }
0x66: {  	_ =	swait.ge [sflag:s13], $0x2000  }
0x67: {  	[sflag:s13] =	ssyncset.done $0x0  }
0x68: {  	[sflag:s13] =	ssyncadd.s32 $0xFFFFE000  }
0x69: {  	[tilespmem:s20], [sflag:$0x2] =	stream.indirect.gather [spmem:s2], $0x40, s26, s18, $0xb8;
	[tilespmem:$0x1CC00] =	vst v63  }
0x6a: {  	_ =	swait.ge [sflag:s21], $0x2000  }
0x6b: {  	[sflag:s21] =	ssyncset.done $0x0  }
0x6c: {  	[sflag:s21] =	ssyncadd.s32 $0xFFFFE000  }
0x6d: {  	_ =	swait.ge [sflag:s22], $0x2000  }
0x6e: {  	[sflag:s22] =	ssyncset.done $0x0  }
0x6f: {  	[sflag:s22] =	ssyncadd.s32 $0xFFFFE000  }
0x70: {  	[bflag:$0x0] =	sbarrier.arrive $0xFFFF  }
0x71: {  	[hbm:s9], [sflag:s15] =	dma.local [spmem:s17], $0x13C0  }
0x72: {  	_ =	swait.ge [sflag:s13], $0x13C0  }
0x73: {  	[sflag:s13] =	ssyncset.done $0x0  }
0x74: {  	[sflag:s13] =	ssyncadd.s32 $0xFFFFEC40  }
0x75: {  	[spmem:s16], [sflag:s15] =	dma.local [hbm:s10], $0x13C0  }
0x76: {  	_ =	swait.ge [sflag:s13], $0x13C0  }
0x77: {  	[sflag:s13] =	ssyncset.done $0x0  }
0x78: {  	[sflag:s13] =	ssyncadd.s32 $0xFFFFEC40  }
0x79: {  	[spmem:s17], [sflag:s15] =	dma.local [hbm:s8], $0x13C0  }
0x7a: {  	_ =	swait.ge [sflag:s13], $0x13C0  }
0x7b: {  	[sflag:s13] =	ssyncset.done $0x0  }
0x7c: {  	[sflag:s13] =	ssyncadd.s32 $0xFFFFEC40  }
0x7d: {  	s1 =	simm.s32 $0x0;
	[bflag:$0x0] =	sbarrier.arrive $0xFFFF  }
0x7e: {  	[tilespmem:s19], [sflag:$0x1] =	stream.indirect.gather [spmem:s2], $0x40, s1, s18, $0xb8;
	[tilespmem:$0x1CC00] =	vst v63  }
0x7f: {  	_ = 	snop  }
0x80: {  	[tilespmem:s20], [sflag:$0x2] =	stream.indirect.gather [spmem:s2], $0x40, s18, s18, $0xb8;
	[tilespmem:$0x1CC00] =	vst v63  }
0x81: {  	_ =	swait.ge [sflag:s21], $0x2000  }
0x82: {  	[sflag:s21] =	ssyncset.done $0x0  }
0x83: {  	s1 =	simm.s32 $0x2800;
	[sflag:s21] =	ssyncadd.s32 $0xFFFFE000  }
0x84: {  	[spmem:s3] =	stream.indirect.scatter.add.f32 [tilespmem:s19], [sflag:$0x3], $0x40, s1, s18, $0xb8;
	[tilespmem:$0x1CC00] =	vst v63  }
0x85: {  	_ =	swait.ge [sflag:s13], $0x2000  }
0x86: {  	[sflag:s13] =	ssyncset.done $0x0  }
0x87: {  	s1 =	simm.s32 $0x100;
	[sflag:s13] =	ssyncadd.s32 $0xFFFFE000  }
0x88: {  	[tilespmem:s19], [sflag:$0x1] =	stream.indirect.gather [spmem:s2], $0x40, s1, s18, $0xb8;
	[tilespmem:$0x1CC00] =	vst v63  }
0x89: {  	_ =	swait.ge [sflag:s22], $0x2000  }
0x8a: {  	[sflag:s22] =	ssyncset.done $0x0  }
0x8b: {  	s1 =	simm.s32 $0x2880;
	[sflag:s22] =	ssyncadd.s32 $0xFFFFE000  }
0x8c: {  	[spmem:s3] =	stream.indirect.scatter.add.f32 [tilespmem:s20], [sflag:$0x3], $0x40, s1, s18, $0xb8;
	[tilespmem:$0x1CC00] =	vst v63  }
0x8d: {  	_ =	swait.ge [sflag:s13], $0x2000  }
0x8e: {  	[sflag:s13] =	ssyncset.done $0x0  }
0x8f: {  	s31 =	simm.s32 $0x400;
	s0 =	simm.s32 $0x180;
	[sflag:s13] =	ssyncadd.s32 $0xFFFFE000  }
.LBB2_4:
0x90: {  	[tilespmem:s20], [sflag:$0x2] =	stream.indirect.gather [spmem:s2], $0x40, s0, s18, $0xb8;
	[tilespmem:$0x1CC00] =	vst v63  }
0x91: {  	s0 =	smov.u32 s31  }
0x92: {  	p0 =	sne.s32 s31, $0x9400;
	s31 =	sadd.s32 $0x400, s31;
	_ =	swait.ge [sflag:s21], $0x2000  }
0x93: {  	s0 =	sshra.s32 s0, $0x2;
	[sflag:s21] =	ssyncset.done $0x0  }
0x94: {  	s1 =	sadd.s32 $0x2800, s0;
	[sflag:s21] =	ssyncadd.s32 $0xFFFFE000  }
0x95: {  	[spmem:s3] =	stream.indirect.scatter.add.f32 [tilespmem:s19], [sflag:$0x3], $0x40, s1, s18, $0xb8;
	[tilespmem:$0x1CC00] =	vst v63  }
0x96: {  	_ =	swait.ge [sflag:s13], $0x2000  }
0x97: {  	[sflag:s13] =	ssyncset.done $0x0  }
0x98: {  	s1 =	sadd.s32 $0x100, s0;
	[sflag:s13] =	ssyncadd.s32 $0xFFFFE000  }
0x99: {  	[tilespmem:s19], [sflag:$0x1] =	stream.indirect.gather [spmem:s2], $0x40, s1, s18, $0xb8;
	[tilespmem:$0x1CC00] =	vst v63  }
0x9a: {  	_ =	swait.ge [sflag:s22], $0x2000  }
0x9b: {  	[sflag:s22] =	ssyncset.done $0x0  }
.Ltmp1:
0x9c: {  	s1 =	sadd.s32 $0x2880, s0;
	[sflag:s22] =	ssyncadd.s32 $0xFFFFE000;
	(pc) =	sbr.rel @p0 .LBB2_4-.Ltmp1, $4  }
0x9d: {  	[spmem:s3] =	stream.indirect.scatter.add.f32 [tilespmem:s20], [sflag:$0x3], $0x40, s1, s18, $0xb8;
	[tilespmem:$0x1CC00] =	vst v63  }
0x9e: {  	_ =	swait.ge [sflag:s13], $0x2000  }
0x9f: {  	[sflag:s13] =	ssyncset.done $0x0  }
0xa0: {  	s0 =	sadd.s32 $0x180, s0;
	[sflag:s13] =	ssyncadd.s32 $0xFFFFE000  }
0xa1: {  	[tilespmem:s20], [sflag:$0x2] =	stream.indirect.gather [spmem:s2], $0x40, s0, s18, $0xb8;
	[tilespmem:$0x1CC00] =	vst v63  }
0xa2: {  	_ =	swait.ge [sflag:s21], $0x2000  }
0xa3: {  	[sflag:s21] =	ssyncset.done $0x0  }
0xa4: {  	[sflag:s21] =	ssyncadd.s32 $0xFFFFE000  }
0xa5: {  	[spmem:s3] =	stream.indirect.scatter.add.f32 [tilespmem:s19], [sflag:$0x3], $0x40, s23, s18, $0xb8;
	[tilespmem:$0x1CC00] =	vst v63  }
0xa6: {  	_ =	swait.ge [sflag:s13], $0x2000  }
0xa7: {  	[sflag:s13] =	ssyncset.done $0x0  }
0xa8: {  	[sflag:s13] =	ssyncadd.s32 $0xFFFFE000  }
0xa9: {  	[tilespmem:s19], [sflag:$0x1] =	stream.indirect.gather [spmem:s2], $0x40, s24, s18, $0xb8;
	[tilespmem:$0x1CC00] =	vst v63  }
0xaa: {  	_ =	swait.ge [sflag:s22], $0x2000  }
0xab: {  	[sflag:s22] =	ssyncset.done $0x0  }
0xac: {  	[sflag:s22] =	ssyncadd.s32 $0xFFFFE000  }
0xad: {  	[spmem:s3] =	stream.indirect.scatter.add.f32 [tilespmem:s20], [sflag:$0x3], $0x40, s25, s18, $0xb8;
	[tilespmem:$0x1CC00] =	vst v63  }
0xae: {  	_ =	swait.ge [sflag:s13], $0x2000  }
0xaf: {  	[sflag:s13] =	ssyncset.done $0x0  }
0xb0: {  	[sflag:s13] =	ssyncadd.s32 $0xFFFFE000  }
0xb1: {  	[tilespmem:s20], [sflag:$0x2] =	stream.indirect.gather [spmem:s2], $0x40, s26, s18, $0xb8;
	[tilespmem:$0x1CC00] =	vst v63  }
0xb2: {  	_ =	swait.ge [sflag:s21], $0x2000  }
0xb3: {  	[sflag:s21] =	ssyncset.done $0x0  }
0xb4: {  	[sflag:s21] =	ssyncadd.s32 $0xFFFFE000  }
0xb5: {  	[spmem:s3] =	stream.indirect.scatter.add.f32 [tilespmem:s19], [sflag:$0x3], $0x40, s28, s18, $0xb8;
	[tilespmem:$0x1CC00] =	vst v63  }
0xb6: {  	_ =	swait.ge [sflag:s13], $0x2000  }
0xb7: {  	[sflag:s13] =	ssyncset.done $0x0  }
0xb8: {  	[sflag:s13] =	ssyncadd.s32 $0xFFFFE000  }
0xb9: {  	[tilespmem:s19], [sflag:$0x1] =	stream.indirect.gather [spmem:s2], $0x40, s26, s18, $0xb8;
	[tilespmem:$0x1CC00] =	vst v63  }
0xba: {  	_ =	swait.ge [sflag:s22], $0x2000  }
0xbb: {  	[sflag:s22] =	ssyncset.done $0x0  }
0xbc: {  	[sflag:s22] =	ssyncadd.s32 $0xFFFFE000  }
0xbd: {  	[spmem:s3] =	stream.indirect.scatter.add.f32 [tilespmem:s20], [sflag:$0x3], $0x40, s29, s18, $0xb8;
	[tilespmem:$0x1CC00] =	vst v63  }
0xbe: {  	_ =	swait.ge [sflag:s13], $0x2000  }
0xbf: {  	[sflag:s13] =	ssyncset.done $0x0  }
0xc0: {  	[sflag:s13] =	ssyncadd.s32 $0xFFFFE000  }
0xc1: {  	[tilespmem:s20], [sflag:$0x2] =	stream.indirect.gather [spmem:s2], $0x40, s26, s18, $0xb8;
	[tilespmem:$0x1CC00] =	vst v63  }
0xc2: {  	_ =	swait.ge [sflag:s21], $0x2000  }
0xc3: {  	[sflag:s21] =	ssyncset.done $0x0  }
0xc4: {  	[sflag:s21] =	ssyncadd.s32 $0xFFFFE000  }
0xc5: {  	_ =	swait.ge [sflag:s22], $0x2000  }
0xc6: {  	s30 =	sadd.s32 $0x1, s30;
	[sflag:s22] =	ssyncset.done $0x0  }
0xc7: {  	p0 =	sne.s32 s30, s12;
	[sflag:s22] =	ssyncadd.s32 $0xFFFFE000  }
.Ltmp2:
0xc8: {  	[bflag:$0x0] =	sbarrier.arrive $0xFFFF;
	(pc) =	sbr.rel @p0 .LBB2_1-.Ltmp2, $4  }
0xc9: {  	[hbm:s11], [sflag:s15] =	dma.local [spmem:s17], $0x13C0  }
0xca: {  	_ =	swait.ge [sflag:s13], $0x13C0  }
0xcb: {  	[sflag:s13] =	ssyncset.done $0x0  }
0xcc: {  	[sflag:s13] =	ssyncadd.s32 $0xFFFFEC40  }
0xcd: {  	_ =	sfence.sel $0x180000  }
0xce: {  	[bflag:$0x0] =	sbarrier.arrive $0xFFFF  }
0xcf: {  	_ =	strace $0x9000004D  }
0xd0: {  	s0 =	stileid.u32;
	[bflag:$0x2] =	sbarrier.arrive $0xFFFF  }
0xd1: {  	p0 =	sne.s32 s0, $0x0;
	s0 =	rddreg [dreg:$0x4]  }
0xd2: {  	s0 =	sadd.s32 @!p0 $0x100000, s0  }
0xd3: {  	[sflag:s0] =	ssyncadd.tile.s32 @!p0 $0x1;
	_ =	shalt  }
.Lfunc_end2:
_tile_overlayer_lowered:
.L_overlay_start_2:
0xd4: {  	(tag) =	ssettag $0x2  }
0xd5: {  	s0 =	rddreg [dreg:$0x0];
	s2 =	stileid.u32  }
0xd6: {  	s1 =	rddreg [dreg:$0x1];
	p0 =	sne.s32 s2, $0x0  }
0xd7: {  	s3 =	rddreg [dreg:$0x2];
	[bflag:$0x3] =	sbarrier.arrive $0xFFFF;
	s2 =	simm.s32 @!p0 $0x1C03  }
0xd8: {  	[timem:s3], [sflag:s2] =	dma.local @!p0 [hbm:s0], s1  }
0xd9: {  	s0 =	simm.s32 @!p0 $0x3  }
0xda: {  	_ =	swait.ge @!p0 [sflag:s0], s1  }
0xdb: {  	s1 =	ssub.s32 @!p0 $0x0, s1;
	[sflag:s0] =	ssyncset.done @!p0 $0x0  }
0xdc: {  	[sflag:s0] =	ssyncadd.s32 @!p0 s1  }
0xdd: {  	[bflag:$0x3] =	sbarrier.arrive $0xFFFF  }
0xde: {  	_ =	shalt  }

// kernel: kernel.9.cloned.1.call-start
scs
__scs_entry_jumppad:
0x0: {  	(pc) =	sbr.rel $0x88, $3  }
0x1: {  	(tag) =	ssettag $0x0;
	lr =	simm.s32 $0x1  }
0x2: {  	[smem:$0x3F99] =	sst lr;
	_ =	strace $0xD0000000  }
0x3: {  	_ = 	snop  }
0x4: {  	_ = 	snop  }
0x5: {  	_ = 	snop  }
0x6: {  	_ = 	snop  }
0x7: {  	_ = 	snop  }
__scs_overlays_trampoline_lowered:
0x8: {  	[smem:$0x3FA8] =	sst s0  }
0x9: {  	[smem:$0x3FA9] =	sst s1  }
0xa: {  	[smem:$0x3FAA] =	sst s2  }
0xb: {  	[smem:$0x3FAB] =	sst s3  }
0xc: {  	[smem:$0x3FAC] =	sst s4  }
0xd: {  	[smem:$0x3FAD] =	sst s5  }
0xe: {  	[smem:$0x3FAE] =	sst s6  }
0xf: {  	[smem:$0x3FAF] =	sst s7  }
0x10: {  	[smem:$0x3FB0] =	sst s8  }
0x11: {  	[smem:$0x3FB1] =	sst s9;
	s0 =	simm.s32 @!p0 $0x0  }
0x12: {  	s1 =	sld [smem:$0x3F97];
	s0 =	simm.s32 @p0 $0x1  }
0x13: {  	[smem:$0x3FB2] =	sst s0;
	s0 =	simm.s32 @!p1 $0x0  }
0x14: {  	s2 =	sld [smem:$0x3F96];
	s0 =	simm.s32 @p1 $0x1  }
0x15: {  	[smem:$0x3FB3] =	sst s0;
	s0 =	simm.s32 @!p2 $0x0  }
0x16: {  	s3 =	sld [smem:$0x3FDB];
	s0 =	simm.s32 @p2 $0x1  }
0x17: {  	s4 =	simm.s32 $0x1BF5;
	[smem:$0x3FB5] =	sst s0  }
0x18: {  	s0 =	sld [smem:$0x3F98];
	_ =	swait.ge [sflag:s4], $0x0  }
0x19: {  	s7 =	sld [smem:$0x3F99]  }
0x1a: {  	s8 =	sadd.s32 $0xFFFFE003, lr  }
0x1b: {  	s9 =	sadd.s32 $0xFFFFFEF7, lr;
	s5 =	simm.s32 $0xFFFFFFFF;
	p2 =	slt.u32 s8, $0xFFFFF086  }
0x1c: {  	p1 =	slt.u32 s9, $0xF7A;
	s5 =	simm.s32 @!p2 $0x0  }
0x1d: {  	s5 =	simm.s32 @p1 $0x1;
	p0 =	seq.s32 s7, s2  }
0x1e: {  	s7 =	smul.u32 @!p0 $0xF7A, s2;
	p2 =	seq.s32 @!p0 s5, $0x0  }
0x1f: {  	s9 =	smul.u32 $0xF7A, s1;
	s8 =	simm.s32 @!p0 $0x1BF5;
	p2 =	por !p2, p0  }
0x20: {  	[sflag:s8] =	ssyncset.s32 @!p0 $0xFFFFF086;
	s6 =	sadd.s32 @!p0 s3, s7;
	s7 =	simm.s32 @!p0 $0x108  }
0x21: {  	s3 =	sadd.s32 s3, s9;
	s6 =	sadd.s32 @!p0 $0x88, s6;
	s7 =	simm.s32 @p2 $0x1082  }
0x22: {  	[simem:s7], [sflag:s8] =	dma.local @!p0 [hbm:s6], $0xF7A  }
0x23: {  	s9 =	sor.u32 $0xD0000000, s2;
	s6 =	simm.s32 $0x108;
	_ =	swait.ge @!p0 [sflag:s8], $0x0  }
0x24: {  	s3 =	sadd.s32 $0x88, s3;
	s6 =	simm.s32 @!p1 $0x1082;
	[sflag:s4] =	ssyncset.s32 $0xFFFFF086  }
0x25: {  	[simem:s6], [sflag:s4] =	dma.local [hbm:s3], $0xF7A  }
0x26: {  	[smem:$0x3F99] =	sst s1;
	(tag) =	ssettag s2;
	_ =	strace s9  }
0x27: {  	s1 =	sld [smem:$0x3FA9]  }
0x28: {  	s2 =	sld [smem:$0x3FAA]  }
0x29: {  	s4 =	sld [smem:$0x3FAC]  }
0x2a: {  	p0 =	seq.s32 s5, $0x0;
	s5 =	sld [smem:$0x3FAD]  }
0x2b: {  	s6 =	sld [smem:$0x3FAE]  }
0x2c: {  	s7 =	sld [smem:$0x3FAF]  }
0x2d: {  	s3 =	simm.s32 $0x108;
	s8 =	sld [smem:$0x3FB0]  }
0x2e: {  	s3 =	simm.s32 @!p0 $0x1082;
	s9 =	sld [smem:$0x3FB1]  }
0x2f: {  	lr =	sadd.s32 s0, s3;
	s0 =	sld [smem:$0x3FA8]  }
0x30: {  	s3 =	sld [smem:$0x3FAB]  }
0x31: {  	[smem:$0x3FB4] =	sst s10  }
0x32: {  	s10 =	sld [smem:$0x3FB2];
	_ =	sdelay $0x3  }
0x33: {  	p0 =	seq.s32 s10, $0x1;
	s10 =	sld [smem:$0x3FB4];
	_ =	sdelay $0x3  }
0x34: {  	[smem:$0x3FB4] =	sst s10  }
0x35: {  	s10 =	sld [smem:$0x3FB3];
	_ =	sdelay $0x3  }
0x36: {  	p1 =	seq.s32 s10, $0x1;
	s10 =	sld [smem:$0x3FB4];
	_ =	sdelay $0x3  }
0x37: {  	[smem:$0x3FB4] =	sst s10  }
0x38: {  	s10 =	sld [smem:$0x3FB5]  }
0x39: {  	_ = 	snop;
	(pc) =	sbr.ind lr, $3  }
0x3a: {  	_ = 	snop  }
0x3b: {  	_ = 	snop  }
0x3c: {  	p2 =	seq.s32 s10, $0x1;
	s10 =	sld [smem:$0x3FB4]  }
0x3d: {  	_ =	shalt  }
0x3e: {  	_ =	shalt  }
0x3f: {  	_ =	shalt  }
0x40: {  	_ =	shalt  }
0x41: {  	_ =	shalt  }
0x42: {  	_ =	shalt  }
0x43: {  	_ =	shalt  }
0x44: {  	_ =	shalt  }
0x45: {  	_ =	shalt  }
0x46: {  	_ =	shalt  }
0x47: {  	_ =	shalt  }
0x48: {  	_ =	shalt  }
0x49: {  	_ =	shalt  }
0x4a: {  	_ =	shalt  }
0x4b: {  	_ =	shalt  }
0x4c: {  	_ =	shalt  }
0x4d: {  	_ =	shalt  }
0x4e: {  	_ =	shalt  }
0x4f: {  	_ =	shalt  }
0x50: {  	_ =	shalt  }
0x51: {  	_ =	shalt  }
0x52: {  	_ =	shalt  }
0x53: {  	_ =	shalt  }
0x54: {  	_ =	shalt  }
0x55: {  	_ =	shalt  }
0x56: {  	_ =	shalt  }
0x57: {  	_ =	shalt  }
0x58: {  	_ =	shalt  }
0x59: {  	_ =	shalt  }
0x5a: {  	_ =	shalt  }
0x5b: {  	_ =	shalt  }
0x5c: {  	_ =	shalt  }
0x5d: {  	_ =	shalt  }
0x5e: {  	_ =	shalt  }
0x5f: {  	_ =	shalt  }
0x60: {  	_ =	shalt  }
0x61: {  	_ =	shalt  }
0x62: {  	_ =	shalt  }
0x63: {  	_ =	shalt  }
0x64: {  	_ =	shalt  }
0x65: {  	_ =	shalt  }
0x66: {  	_ =	shalt  }
0x67: {  	_ =	shalt  }
0x68: {  	_ =	shalt  }
0x69: {  	_ =	shalt  }
0x6a: {  	_ =	shalt  }
0x6b: {  	_ =	shalt  }
0x6c: {  	_ =	shalt  }
0x6d: {  	_ =	shalt  }
0x6e: {  	_ =	shalt  }
0x6f: {  	_ =	shalt  }
0x70: {  	_ =	shalt  }
0x71: {  	_ =	shalt  }
0x72: {  	_ =	shalt  }
0x73: {  	_ =	shalt  }
0x74: {  	_ =	shalt  }
0x75: {  	_ =	shalt  }
0x76: {  	_ =	shalt  }
0x77: {  	_ =	shalt  }
0x78: {  	_ =	shalt  }
0x79: {  	_ =	shalt  }
0x7a: {  	_ =	shalt  }
0x7b: {  	_ =	shalt  }
0x7c: {  	_ =	shalt  }
0x7d: {  	_ =	shalt  }
0x7e: {  	_ =	shalt  }
0x7f: {  	_ =	shalt  }
0x80: {  	_ =	shalt  }
0x81: {  	_ =	shalt  }
0x82: {  	_ =	shalt  }
0x83: {  	_ =	shalt  }
0x84: {  	_ =	shalt  }
0x85: {  	_ =	shalt  }
0x86: {  	_ =	shalt  }
0x87: {  	_ =	shalt  }
.Lfunc_end0:
.L_simem_size_0:
called_computation_lowered:
.L_overlay_start_0:
0x88: {  	s2 =	sld [smem:$0x3FD9]  }
0x89: {  	s3 =	sld [smem:$0x3FFE];
	_ =	sdelay $0x1  }
0x8a: {  	s1 =	srdreg.scid  }
0x8b: {  	s0 =	sand.u32 $0x1, s1  }
0x8c: {  	s17 =	sshll.u32 s0, $0xA;
	s2 =	sadd.s32 s3, s2  }
0x8d: {  	s2 =	sadd.s32 s2, s17  }
0x8e: {  	[smem:$0x3FC0] =	sst s2  }
0x8f: {  	_ = 	snop  }
0x90: {  	s2 =	sld [smem:$0x3FD0];
	(tm) =	ssettm $0x1  }
0x91: {  	s18 =	sld [smem:$0x3FFB];
	_ =	sdelay $0x3  }
0x92: {  	_ =	strace s18  }
0x93: {  	s3 =	sld [smem:$0x3FFC];
	_ =	sdelay $0x3  }
0x94: {  	_ =	strace s3  }
0x95: {  	s3 =	sld [smem:$0x3FFD];
	_ =	sdelay $0x3  }
0x96: {  	_ =	strace s3  }
0x97: {  	_ =	strace $0x8FFFFFFF  }
0x98: {  	s19 =	sld [smem:$0x3FDB];
	_ =	sdelay $0x1  }
0x99: {  	s4 =	simm.s32 $_scs_section_size  }
0x9a: {  	s5 =	simm.s32 $_size__tile_overlayer_lowered;
	s6 =	simm.s32 $_tile_overlayer_lowered  }
0x9b: {  	s22 =	simm.s32 $0x1BFF;
	s21 =	sshll.u32 s6, $0x1;
	s3 =	sadd.s32 s4, s19  }
0x9c: {  	s7 =	simm.s32 $0x0;
	s20 =	sshll.u32 s5, $0x1;
	s5 =	sadd.s32 s21, s3  }
0x9d: {  	[timem:s7], [sflag:s22] =	dma.local [hbm:s5], s20  }
0x9e: {  	_ =	swait.ge [sflag:s22], s20  }
0x9f: {  	s4 =	ssub.s32 $0x0, s20;
	[sflag:s22] =	ssyncset.done $0x0  }
0xa0: {  	[sflag:s22] =	ssyncadd.s32 s4;
	_ =	sdelay $0x1  }
0xa1: {  	s23 =	simm.s32 $0x1B8B  }
0xa2: {  	_ =	swait.ge [sflag:s23], $0x1  }
0xa3: {  	[sflag:s23] =	ssyncset.done $0x0  }
0xa4: {  	s25 =	simm.s32 $0x1B8E;
	s24 =	sld [smem:$0x3FFE];
	[sflag:s23] =	ssyncadd.s32 $0xFFFFFFFF  }
0xa5: {  	s26 =	simm.s32 $execute0_lowered;
	[smem:$0x3FD2] =	sst s25  }
0xa6: {  	s5 =	sshll.u32 s26, $0x1;
	_ =	strace $0x80000046;
	[dreg:$0x1] =	wrdreg $0xFFFFFFFF  }
0xa7: {  	s28 =	simm.s32 $_size_execute0_lowered;
	s3 =	sadd.s32 s3, s5;
	[dreg:$0x0] =	wrdreg $0x0  }
0xa8: {  	s5 =	sshll.u32 s28, $0x1;
	[dreg:$0x2] =	wrdreg s3  }
0xa9: {  	[dreg:$0x3] =	wrdreg s5  }
0xaa: {  	[dreg:$0x4] =	wrdreg $0xC0  }
0xab: {  	_ =	task [dreg:s7], $0x5FFFF  }
0xac: {  	[dreg:$0x1] =	wrdreg $0xFFFFFFFF  }
0xad: {  	[dreg:$0x0] =	wrdreg $0x60  }
0xae: {  	[dreg:$0x2] =	wrdreg s24  }
0xaf: {  	[dreg:$0x3] =	wrdreg s2  }
0xb0: {  	[dreg:$0x4] =	wrdreg $0x30000  }
0xb1: {  	[dreg:$0x5] =	wrdreg $0x9  }
0xb2: {  	_ =	task.clear_ibuf [dreg:s7], $0x6FFFF;
	_ =	strace $0x90000046  }
0xb3: {  	s29 =	simm.s32 $0x9;
	_ =	strace $0x80000048  }
0xb4: {  	_ =	swait.ge [sflag:s29], $0x1  }
0xb5: {  	[sflag:s29] =	ssyncadd.s32 $0xFFFFFFFF  }
0xb6: {  	_ =	strace $0x90000048  }
0xb7: {  	_ =	sfence  }
0xb8: {  	s30 =	sld [smem:$0x0];
	_ =	sdelay $0x2  }
0xb9: {  	s31 =	sshll.u32 s1, $0xD;
	s1 =	sshrl.u32 s1, $0x2  }
0xba: {  	s3 =	sand.u32 $0x4000, s31;
	s1 =	sadd.s32 s1, s30  }
0xbb: {  	s0 =	sor.u32 s3, s0;
	s1 =	sshll.u32 s1, $0x11  }
0xbc: {  	s0 =	sor.u32 s1, s0  }
0xbd: {  	s0 =	sadd.s32 $0x8F2B, s0  }
0xbe: {  	[sflag:s0] =	ssyncadd.remote.s32 $0x1  }
0xbf: {  	_ =	sfence.sel $0xFFFF  }
0xc0: {  	[dreg:$0x0] =	wrdreg $0xFFFFFFFF;
	(pc) =	sbr.abs _section_cstart, $3  }
0xc1: {  	[dreg:$0x1] =	wrdreg $0xFFFFFFFF  }
0xc2: {  	_ =	task.clear_ibuf [dreg:s7], $0x2FFFF;
	_ =	strace $0x9FFFFFFF  }
0xc3: {  	(tm) =	ssettm $0x7FFFFFFF  }
tec
execute0_lowered:
.L_overlay_start_1:
0x0: {  	(tag) =	ssettag $0x1  }
0x1: {  	s4 =	rddreg [dreg:$0x0]  }
0x2: {  	s0 =	srdreg.scid;
	s7 =	rddreg [dreg:$0x1]  }
0x3: {  	s2 =	rddreg [dreg:$0x2];
	s5 =	sand.u32 $0x1, s0;
	s0 =	stileid.u32  }
0x4: {  	s3 =	simm.s32 $0x0;
	s14 =	simm.s32 $0x0;
	s8 =	smul.u32 $0x2780, s0  }
0x5: {  	[smem:$0x7FF] =	sst s3;
	s1 =	sshll.u32 s5, $0x4;
	s11 =	smul.u32 $0x4F0, s0  }
0x6: {  	s10 =	ssub.s32 $0x2, s5;
	s13 =	smul.u32 $0x4F00, s5;
	s31 =	sshll.u32 s0, $0x6  }
0x7: {  	s6 =	sor.u32 s0, s1;
	s1 =	rddreg [dreg:$0x3];
	_ =	strace $0x80000047  }
0x8: {  	s12 =	sshrl.u32 s10, $0x1;
	s6 =	smul.u32 $0x500, s6;
	s9 =	sshrl.u32 s8, $0x3  }
0x9: {  	s10 =	ssub.s32 s10, s12;
	s29 =	sadd.s32 s8, s2;
	s30 =	sadd.s32 s11, s13  }
0xa: {  	s11 =	sor.u32 $0x1C01, s31;
	s13 =	simm.s32 $0x80;
	s9 =	sadd.s32 s9, s4  }
0xb: {  	s7 =	sadd.s32 s7, s30;
	s8 =	smax.u32 s10, $0x1;
	s10 =	simm.s32 $0x1  }
0xc: {  	s12 =	sshrl.u32 s29, $0x3;
	s6 =	sadd.s32 s6, s4;
	s4 =	sadd.s32 $0xC800, s4  }
0xd: {  	s5 =	sadd.s32 $0x2800, s6;
	s6 =	sadd.s32 $0xCA00, s9;
	s9 =	simm.s32 $0x2800  }
.LBB2_1:
0xe: {  	[tilespmem:s9], [sflag:$0x1] =	stream.linear.gather [hbm4b:s4+s3], $0x800, $0x38;
	[tilespmem:$0x5780] =	vst v63  }
0xf: {  	_ =	swait.ge [sflag:s10], $0x800  }
0x10: {  	[sflag:s10] =	ssyncset.done $0x0  }
0x11: {  	[sflag:s10] =	ssyncadd.s32 $0xFFFFF800  }
0x12: {  	[tilespmem:s3], [sflag:$0x1] =	stream.linear.gather [hbm4b:s5+s3], $0x2800, $0x38;
	[tilespmem:$0x5780] =	vst v63  }
0x13: {  	_ =	swait.ge [sflag:s10], $0x2800  }
0x14: {  	[sflag:s10] =	ssyncset.done $0x0  }
0x15: {  	[sflag:s10] =	ssyncadd.s32 $0xFFFFD800  }
0x16: {  	[spmem:s12], [sflag:s11] =	dma.local [hbm:s6], $0x4F0  }
0x17: {  	_ =	swait.ge [sflag:s10], $0x4F0  }
0x18: {  	[sflag:s10] =	ssyncset.done $0x0  }
0x19: {  	[sflag:s10] =	ssyncadd.s32 $0xFFFFFB10  }
0x1a: {  	s15 =	simm.s32 $0x0;
	[bflag:$0x0] =	sbarrier.arrive $0xFFFF  }
0x1b: {  	[spmem:s2] =	stream.indirect.scatter.add.f32 [tilespmem:s9], [sflag:$0x1], $0x10, s15, s13, $0xb8;
	[tilespmem:$0x5780] =	vst v63  }
0x1c: {  	_ =	swait.ge [sflag:s10], $0x800  }
0x1d: {  	s15 =	simm.s32 $0x200;
	[sflag:s10] =	ssyncset.done $0x0  }
.LBB2_2:
0x1e: {  	s16 =	sshra.s32 s15, $0x2;
	[sflag:s10] =	ssyncadd.s32 $0xFFFFF800;
	p0 =	sne.s32 s15, $0x9E00  }
0x1f: {  	[spmem:s2] =	stream.indirect.scatter.add.f32 [tilespmem:s9], [sflag:$0x1], $0x10, s16, s13, $0xb8;
	[tilespmem:$0x5780] =	vst v63  }
.Ltmp0:
0x20: {  	_ = 	snop;
	(pc) =	sbr.rel @p0 .LBB2_2-.Ltmp0, $4  }
0x21: {  	_ = 	snop  }
0x22: {  	s15 =	sadd.s32 $0x200, s15  }
0x23: {  	_ =	swait.ge [sflag:s10], $0x800  }
0x24: {  	[sflag:s10] =	ssyncset.done $0x0  }
0x25: {  	s14 =	sadd.s32 $0x1, s14  }
0x26: {  	[sflag:s10] =	ssyncadd.s32 $0xFFFFF800;
	p0 =	sne.s32 s14, s8  }
.Ltmp1:
0x27: {  	[bflag:$0x0] =	sbarrier.arrive $0xFFFF;
	(pc) =	sbr.rel @p0 .LBB2_1-.Ltmp1, $4  }
0x28: {  	[hbm:s7], [sflag:s11] =	dma.local [spmem:s12], $0x4F0  }
0x29: {  	_ =	swait.ge [sflag:s10], $0x4F0  }
0x2a: {  	[sflag:s10] =	ssyncset.done $0x0  }
0x2b: {  	[sflag:s10] =	ssyncadd.s32 $0xFFFFFB10  }
0x2c: {  	_ =	sfence.sel $0x180000  }
0x2d: {  	[bflag:$0x0] =	sbarrier.arrive $0xFFFF  }
0x2e: {  	p0 =	sne.s32 s0, $0x0;
	_ =	strace $0x90000047  }
0x2f: {  	s0 =	sadd.s32 @!p0 $0x100000, s1;
	[bflag:$0x2] =	sbarrier.arrive $0xFFFF  }
0x30: {  	[sflag:s0] =	ssyncadd.tile.s32 @!p0 $0x1;
	_ =	shalt  }
.Lfunc_end2:
_tile_overlayer_lowered:
.L_overlay_start_2:
0x31: {  	(tag) =	ssettag $0x2  }
0x32: {  	s0 =	rddreg [dreg:$0x0];
	s2 =	stileid.u32  }
0x33: {  	s1 =	rddreg [dreg:$0x1];
	p0 =	sne.s32 s2, $0x0  }
0x34: {  	s3 =	rddreg [dreg:$0x2];
	[bflag:$0x3] =	sbarrier.arrive $0xFFFF;
	s2 =	simm.s32 @!p0 $0x1C01  }
0x35: {  	[timem:s3], [sflag:s2] =	dma.local @!p0 [hbm:s0], s1  }
0x36: {  	s0 =	simm.s32 @!p0 $0x1  }
0x37: {  	_ =	swait.ge @!p0 [sflag:s0], s1  }
0x38: {  	s1 =	ssub.s32 @!p0 $0x0, s1;
	[sflag:s0] =	ssyncset.done @!p0 $0x0  }
0x39: {  	[sflag:s0] =	ssyncadd.s32 @!p0 s1  }
0x3a: {  	[bflag:$0x3] =	sbarrier.arrive $0xFFFF  }
0x3b: {  	_ =	shalt  }

</sc_bundles>
